<compile_context>
chip_gen: v7x
topology: tpu7x:2x2x1
jax: 0.10.2.dev20260603
libtpu: 0.0.44.dev20260713+nightly
codegen_flags: <defaults>
</compile_context>

<pallas_src>
import jax
import jax.numpy as jnp
from jax import lax
from jax.experimental import pallas as pl
from jax.experimental.pallas import tpu as pltpu
from jax.experimental.pallas import tpu_sc as plsc

N = 10000
F = 256
H = 64
L = 16
NNZ = 250000

_NC = 2
_NS = 16
_LANES = 16
_NW = _NC * _NS
_F_PER_W = F // _NW

_NNZ_BLK = 4000
_NNZ_PAD = 256000
_N_BLKS = _NNZ_PAD // _NNZ_BLK


def _sc_body(rows_hbm, cols_hbm, vals_hbm, out_hbm,
             rows_a, rows_b, cols_a, cols_b, vals_a, vals_b,
             stripe, sems):
    rows_v = (rows_a, rows_b)
    cols_v = (cols_a, cols_b)
    vals_v = (vals_a, vals_b)

    wid = lax.axis_index("s") * _NC + lax.axis_index("c")
    c0 = wid * _F_PER_W

    def _start(b, slot):
        blk = pl.ds(b * _NNZ_BLK, _NNZ_BLK)
        pltpu.async_copy(rows_hbm.at[blk], rows_v[slot], sems.at[slot])
        pltpu.async_copy(cols_hbm.at[blk], cols_v[slot], sems.at[slot])
        pltpu.async_copy(vals_hbm.at[blk], vals_v[slot], sems.at[slot])

    def _wait(slot):
        pltpu.make_async_copy(rows_hbm.at[pl.ds(0, _NNZ_BLK)], rows_v[slot],
                              sems.at[slot]).wait()
        pltpu.make_async_copy(cols_hbm.at[pl.ds(0, _NNZ_BLK)], cols_v[slot],
                              sems.at[slot]).wait()
        pltpu.make_async_copy(vals_hbm.at[pl.ds(0, _NNZ_BLK)], vals_v[slot],
                              sems.at[slot]).wait()

    def _process(slot):
        rv, cv, vv = rows_v[slot], cols_v[slot], vals_v[slot]

        @plsc.parallel_loop(0, _NNZ_BLK, step=_LANES, unroll=16)
        def _chunk(j):
            s = pl.ds(j, _LANES)
            r = rv[s]
            c = cv[s]
            v = vv[s]
            cl = c - c0
            m = cl.astype(jnp.uint32) < _F_PER_W
            plsc.addupdate_scatter(stripe, [cl * N + r], v, mask=m)

    _start(0, 0)
    _start(1, 1)

    @plsc.parallel_loop(0, _F_PER_W * N, step=_LANES, unroll=8)
    def _zero(j):
        stripe[pl.ds(j, _LANES)] = jnp.zeros((_LANES,), jnp.float32)

    @pl.loop(0, _N_BLKS, step=2)
    def _blocks(b):
        for s in range(2):
            _wait(s)
            _process(s)

            @pl.when(b + 2 + s < _N_BLKS)
            def _():
                _start(b + 2 + s, s)

    pltpu.sync_copy(stripe, out_hbm.at[pl.ds(c0 * N, _F_PER_W * N)])


def _sc_densify(rows, cols, vals):
    mesh = plsc.VectorSubcoreMesh(core_axis_name="c", subcore_axis_name="s")
    return pl.kernel(
        _sc_body,
        out_type=jax.ShapeDtypeStruct((F * N,), jnp.float32),
        mesh=mesh,
        scratch_types=[
            pltpu.VMEM((_NNZ_BLK,), jnp.int32),
            pltpu.VMEM((_NNZ_BLK,), jnp.int32),
            pltpu.VMEM((_NNZ_BLK,), jnp.int32),
            pltpu.VMEM((_NNZ_BLK,), jnp.int32),
            pltpu.VMEM((_NNZ_BLK,), jnp.float32),
            pltpu.VMEM((_NNZ_BLK,), jnp.float32),
            pltpu.VMEM((_F_PER_W * N,), jnp.float32),
            pltpu.SemaphoreType.DMA((2,)),
        ],
        compiler_params=pltpu.CompilerParams(needs_layout_passes=False),
    )(rows, cols, vals)


_BM = 400


def _prop_body(p_ref, xT_ref, w1_ref, b1_ref, w2_ref, b2_ref, out_ref, l2_ref):
    i = pl.program_id(0)

    @pl.when(i == 0)
    def _():
        a = lax.dot_general(xT_ref[...], w1_ref[...], (((0,), (0,)), ((), ())),
                            preferred_element_type=jnp.float32)
        z = jnp.maximum(a + b1_ref[...], 0.0)
        l2 = jnp.dot(z, w2_ref[...], preferred_element_type=jnp.float32)
        l2_ref[...] = (l2 + b2_ref[...]).astype(jnp.bfloat16)

    acc = jnp.dot(p_ref[...].astype(jnp.bfloat16), l2_ref[...],
                  preferred_element_type=jnp.float32)
    m = jnp.max(acc, axis=1, keepdims=True)
    e = jnp.exp(acc - m)
    lse = jnp.log(jnp.sum(e, axis=1, keepdims=True))
    out_ref[...] = acc - m - lse


def _propagate(P, xT, W1, b1, W2, b2):
    return pl.pallas_call(
        _prop_body,
        grid=(N // _BM,),
        in_specs=[
            pl.BlockSpec((_BM, N), lambda i: (i, 0)),
            pl.BlockSpec((F, N), lambda i: (0, 0)),
            pl.BlockSpec((F, H), lambda i: (0, 0)),
            pl.BlockSpec((1, H), lambda i: (0, 0)),
            pl.BlockSpec((H, L), lambda i: (0, 0)),
            pl.BlockSpec((1, L), lambda i: (0, 0)),
        ],
        out_specs=pl.BlockSpec((_BM, L), lambda i: (i, 0)),
        out_shape=jax.ShapeDtypeStruct((N, L), jnp.float32),
        scratch_shapes=[pltpu.VMEM((N, L), jnp.bfloat16)],
    )(P, xT, W1, b1.reshape(1, H), W2, b2.reshape(1, L))


def kernel(feature_indices, feature_values, propagator, W1, b1, W2, b2):
    pad = _NNZ_PAD - NNZ
    rows = jnp.concatenate([feature_indices[0], jnp.zeros((pad,), jnp.int32)])
    cols = jnp.concatenate([feature_indices[1], jnp.zeros((pad,), jnp.int32)])
    vals = jnp.concatenate([feature_values, jnp.zeros((pad,), jnp.float32)])
    xT = _sc_densify(rows, cols, vals).reshape(F, N)
    return xT[:N // 256, :L] * 1.0

# --- scband reference (transcript-rebuilt; emitter-appended) ---
"""Pipeline reference for scband-appnpmodel-28587302322286 (READ-ONLY COPY).

The authoritative reference and input builder live on the scoring server;
editing this copy changes nothing except your own understanding.
"""

import jax, jax.numpy as jnp
import numpy as np

N = 10000
F = 256
H = 64
L = 16
E = 160000
NNZ = 250000
ALPHA = 0.1


def _make_propagator():
    # Mirrors create_propagator_matrix(graph, alpha=0.1, model='exact'):
    # symmetric adjacency, add self loops, D^-1/2 A_tilde D^-1/2,
    # propagator = alpha * inv(I - (1 - alpha) * A_tilde_hat)
    rng = np.random.RandomState(0)
    src = rng.randint(0, N, size=E)
    dst = rng.randint(0, N, size=E)
    A = np.zeros((N, N), dtype=np.float32)
    A[src, dst] = 1.0
    A[dst, src] = 1.0
    diag = np.arange(N)
    A[diag, diag] = 0.0  # simple graph: no self loops
    A[diag, diag] = 1.0  # A_tilde = A + I (in place)
    deg = A.sum(axis=0)
    d_inv_sqrt = (1.0 / np.sqrt(deg)).astype(np.float32)
    A *= d_inv_sqrt[None, :]
    A *= d_inv_sqrt[:, None]  # A is now A_tilde_hat
    M = (-(1.0 - ALPHA)) * A
    M[diag, diag] += 1.0
    P = (ALPHA * np.linalg.inv(M)).astype(np.float32)
    return jnp.asarray(P)


def setup_inputs(seed: int = 0):
    key = jax.random.key(seed)
    ks = jax.random.split(key, 8)
    rows = jax.random.randint(ks[0], (NNZ,), 0, N)
    cols = jax.random.randint(ks[1], (NNZ,), 0, F)
    # guarantee max row index = N-1 and max col index = F-1 (forward infers dims from max)
    rows = rows.at[0].set(N - 1)
    cols = cols.at[0].set(F - 1)
    feature_indices = jnp.stack([rows, cols]).astype(jnp.int32)
    feature_values = jax.random.uniform(ks[2], (NNZ,), dtype=jnp.float32)
    limit1 = float(np.sqrt(6.0 / (F + H)))
    W1 = jax.random.uniform(ks[3], (F, H), minval=-limit1, maxval=limit1, dtype=jnp.float32)
    b1 = jax.random.uniform(ks[4], (H,), minval=-1.0 / np.sqrt(H), maxval=1.0 / np.sqrt(H), dtype=jnp.float32)
    limit2 = float(np.sqrt(6.0 / (H + L)))
    W2 = jax.random.uniform(ks[5], (H, L), minval=-limit2, maxval=limit2, dtype=jnp.float32)
    b2 = jax.random.uniform(ks[6], (L,), minval=-1.0 / np.sqrt(L), maxval=1.0 / np.sqrt(L), dtype=jnp.float32)
    propagator = _make_propagator()
    return {"feature_indices": feature_indices, "feature_values": feature_values,
            "propagator": propagator, "W1": W1, "b1": b1, "W2": W2, "b2": b2}


def reference(feature_indices, feature_values, propagator, W1, b1, W2, b2):
    # Eval mode: dropout layers are identity.
    row = feature_indices[0]
    col = feature_indices[1]
    # SparseFullyConnected: spmm(sparse features, W1) + b1
    gathered = jnp.take(W1, col, axis=0) * feature_values[:, None]
    latent1 = jnp.zeros((N, H), dtype=jnp.float32).at[row].add(gathered) + b1
    latent1 = jax.nn.relu(latent1)
    # DenseFullyConnected
    latent2 = latent1 @ W2 + b2
    # exact PPR propagation
    preds = propagator @ latent2
    return jax.nn.log_softmax(preds, axis=1)

if __name__ == "__main__":
    import jax
    _d = setup_inputs()
    print(jax.jit(kernel)(*tuple(_d.values())))

</pallas_src>

<mosaic_0001>
#map = affine_map<(d0, d1) -> (0)>
module attributes {stable_mosaic.version = 14 : i64} {
  func.func @_sc_body(%arg0: i32, %arg1: i32, %arg2: memref<256000xi32, #tpu.memory_space<hbm>>, %arg3: memref<256000xi32, #tpu.memory_space<hbm>>, %arg4: memref<256000xf32, #tpu.memory_space<hbm>>, %arg5: memref<2560000xf32, #tpu.memory_space<hbm>>, %arg6: memref<4000xi32, #tpu.memory_space<vmem>>, %arg7: memref<4000xi32, #tpu.memory_space<vmem>>, %arg8: memref<4000xi32, #tpu.memory_space<vmem>>, %arg9: memref<4000xi32, #tpu.memory_space<vmem>>, %arg10: memref<4000xf32, #tpu.memory_space<vmem>>, %arg11: memref<4000xf32, #tpu.memory_space<vmem>>, %arg12: memref<80000xf32, #tpu.memory_space<vmem>>, %arg13: memref<2x!tpu.dma_semaphore, #tpu.memory_space<semaphore_mem>>) attributes {dimension_semantics = [#tpu.dimension_semantics<core_parallel>, #tpu.dimension_semantics<subcore_parallel>], iteration_bounds = array<i64: 2, 16>, scalar_prefetch = 0 : i64, scratch_operands = 8 : i64, tpu.core_type = #tpu.core_type<sc_vector_subcore>, window_params = [{transform_indices = #map}, {transform_indices = #map}, {transform_indices = #map}, {transform_indices = #map}]} {
    %mul3A = arith.constant 2 : i32
    %mul3A_0 = arith.muli %arg1, %mul3A : i32
    %add3A = arith.addi %mul3A_0, %arg0 : i32
    %mul3A_1 = arith.constant 8 : i32
    %mul3A_2 = arith.muli %add3A, %mul3A_1 : i32
    %dma_start3A = arith.constant 0 : i32
    %dma_start3A_3 = arith.constant 0 : i32
    %dma_start3A_4 = tpu.memref_slice %arg2[%dma_start3A_3] : memref<256000xi32, #tpu.memory_space<hbm>> -> memref<4000xi32, #tpu.memory_space<hbm>>
    %dma_start3A_5 = tpu.memref_slice %arg13[%dma_start3A] : memref<2x!tpu.dma_semaphore, #tpu.memory_space<semaphore_mem>> -> memref<1x!tpu.dma_semaphore, #tpu.memory_space<semaphore_mem>>
    %dma_start3A_6 = tpu.memref_squeeze %dma_start3A_5 : memref<1x!tpu.dma_semaphore, #tpu.memory_space<semaphore_mem>> -> memref<!tpu.dma_semaphore, #tpu.memory_space<semaphore_mem>>
    %dma_start3A_7 = arith.constant 0 : i32
    %dma_start3A_8 = tpu.memref_slice %arg2[%dma_start3A_7] : memref<256000xi32, #tpu.memory_space<hbm>> -> memref<4000xi32, #tpu.memory_space<hbm>>
    tpu.enqueue_dma source(%dma_start3A_8 : memref<4000xi32, #tpu.memory_space<hbm>>) target(%arg6 : memref<4000xi32, #tpu.memory_space<vmem>>) target_semaphore(%dma_start3A_6 : memref<!tpu.dma_semaphore, #tpu.memory_space<semaphore_mem>>)
    %dma_start3A_9 = arith.constant 0 : i32
    %dma_start3A_10 = arith.constant 0 : i32
    %dma_start3A_11 = tpu.memref_slice %arg3[%dma_start3A_10] : memref<256000xi32, #tpu.memory_space<hbm>> -> memref<4000xi32, #tpu.memory_space<hbm>>
    %dma_start3A_12 = tpu.memref_slice %arg13[%dma_start3A_9] : memref<2x!tpu.dma_semaphore, #tpu.memory_space<semaphore_mem>> -> memref<1x!tpu.dma_semaphore, #tpu.memory_space<semaphore_mem>>
    %dma_start3A_13 = tpu.memref_squeeze %dma_start3A_12 : memref<1x!tpu.dma_semaphore, #tpu.memory_space<semaphore_mem>> -> memref<!tpu.dma_semaphore, #tpu.memory_space<semaphore_mem>>
    %dma_start3A_14 = arith.constant 0 : i32
    %dma_start3A_15 = tpu.memref_slice %arg3[%dma_start3A_14] : memref<256000xi32, #tpu.memory_space<hbm>> -> memref<4000xi32, #tpu.memory_space<hbm>>
    tpu.enqueue_dma source(%dma_start3A_15 : memref<4000xi32, #tpu.memory_space<hbm>>) target(%arg8 : memref<4000xi32, #tpu.memory_space<vmem>>) target_semaphore(%dma_start3A_13 : memref<!tpu.dma_semaphore, #tpu.memory_space<semaphore_mem>>)
    %dma_start3A_16 = arith.constant 0 : i32
    %dma_start3A_17 = arith.constant 0 : i32
    %dma_start3A_18 = tpu.memref_slice %arg4[%dma_start3A_17] : memref<256000xf32, #tpu.memory_space<hbm>> -> memref<4000xf32, #tpu.memory_space<hbm>>
    %dma_start3A_19 = tpu.memref_slice %arg13[%dma_start3A_16] : memref<2x!tpu.dma_semaphore, #tpu.memory_space<semaphore_mem>> -> memref<1x!tpu.dma_semaphore, #tpu.memory_space<semaphore_mem>>
    %dma_start3A_20 = tpu.memref_squeeze %dma_start3A_19 : memref<1x!tpu.dma_semaphore, #tpu.memory_space<semaphore_mem>> -> memref<!tpu.dma_semaphore, #tpu.memory_space<semaphore_mem>>
    %dma_start3A_21 = arith.constant 0 : i32
    %dma_start3A_22 = tpu.memref_slice %arg4[%dma_start3A_21] : memref<256000xf32, #tpu.memory_space<hbm>> -> memref<4000xf32, #tpu.memory_space<hbm>>
    tpu.enqueue_dma source(%dma_start3A_22 : memref<4000xf32, #tpu.memory_space<hbm>>) target(%arg10 : memref<4000xf32, #tpu.memory_space<vmem>>) target_semaphore(%dma_start3A_20 : memref<!tpu.dma_semaphore, #tpu.memory_space<semaphore_mem>>)
    %dma_start3A_23 = arith.constant 1 : i32
    %dma_start3A_24 = arith.constant 4000 : i32
    %dma_start3A_25 = tpu.memref_slice %arg2[%dma_start3A_24] : memref<256000xi32, #tpu.memory_space<hbm>> -> memref<4000xi32, #tpu.memory_space<hbm>>
    %dma_start3A_26 = tpu.memref_slice %arg13[%dma_start3A_23] : memref<2x!tpu.dma_semaphore, #tpu.memory_space<semaphore_mem>> -> memref<1x!tpu.dma_semaphore, #tpu.memory_space<semaphore_mem>>
    %dma_start3A_27 = tpu.memref_squeeze %dma_start3A_26 : memref<1x!tpu.dma_semaphore, #tpu.memory_space<semaphore_mem>> -> memref<!tpu.dma_semaphore, #tpu.memory_space<semaphore_mem>>
    %dma_start3A_28 = arith.constant 4000 : i32
    %dma_start3A_29 = tpu.memref_slice %arg2[%dma_start3A_28] : memref<256000xi32, #tpu.memory_space<hbm>> -> memref<4000xi32, #tpu.memory_space<hbm>>
    tpu.enqueue_dma source(%dma_start3A_29 : memref<4000xi32, #tpu.memory_space<hbm>>) target(%arg7 : memref<4000xi32, #tpu.memory_space<vmem>>) target_semaphore(%dma_start3A_27 : memref<!tpu.dma_semaphore, #tpu.memory_space<semaphore_mem>>)
    %dma_start3A_30 = arith.constant 1 : i32
    %dma_start3A_31 = arith.constant 4000 : i32
    %dma_start3A_32 = tpu.memref_slice %arg3[%dma_start3A_31] : memref<256000xi32, #tpu.memory_space<hbm>> -> memref<4000xi32, #tpu.memory_space<hbm>>
    %dma_start3A_33 = tpu.memref_slice %arg13[%dma_start3A_30] : memref<2x!tpu.dma_semaphore, #tpu.memory_space<semaphore_mem>> -> memref<1x!tpu.dma_semaphore, #tpu.memory_space<semaphore_mem>>
    %dma_start3A_34 = tpu.memref_squeeze %dma_start3A_33 : memref<1x!tpu.dma_semaphore, #tpu.memory_space<semaphore_mem>> -> memref<!tpu.dma_semaphore, #tpu.memory_space<semaphore_mem>>
    %dma_start3A_35 = arith.constant 4000 : i32
    %dma_start3A_36 = tpu.memref_slice %arg3[%dma_start3A_35] : memref<256000xi32, #tpu.memory_space<hbm>> -> memref<4000xi32, #tpu.memory_space<hbm>>
    tpu.enqueue_dma source(%dma_start3A_36 : memref<4000xi32, #tpu.memory_space<hbm>>) target(%arg9 : memref<4000xi32, #tpu.memory_space<vmem>>) target_semaphore(%dma_start3A_34 : memref<!tpu.dma_semaphore, #tpu.memory_space<semaphore_mem>>)
    %dma_start3A_37 = arith.constant 1 : i32
    %dma_start3A_38 = arith.constant 4000 : i32
    %dma_start3A_39 = tpu.memref_slice %arg4[%dma_start3A_38] : memref<256000xf32, #tpu.memory_space<hbm>> -> memref<4000xf32, #tpu.memory_space<hbm>>
    %dma_start3A_40 = tpu.memref_slice %arg13[%dma_start3A_37] : memref<2x!tpu.dma_semaphore, #tpu.memory_space<semaphore_mem>> -> memref<1x!tpu.dma_semaphore, #tpu.memory_space<semaphore_mem>>
    %dma_start3A_41 = tpu.memref_squeeze %dma_start3A_40 : memref<1x!tpu.dma_semaphore, #tpu.memory_space<semaphore_mem>> -> memref<!tpu.dma_semaphore, #tpu.memory_space<semaphore_mem>>
    %dma_start3A_42 = arith.constant 4000 : i32
    %dma_start3A_43 = tpu.memref_slice %arg4[%dma_start3A_42] : memref<256000xf32, #tpu.memory_space<hbm>> -> memref<4000xf32, #tpu.memory_space<hbm>>
    tpu.enqueue_dma source(%dma_start3A_43 : memref<4000xf32, #tpu.memory_space<hbm>>) target(%arg11 : memref<4000xf32, #tpu.memory_space<vmem>>) target_semaphore(%dma_start3A_41 : memref<!tpu.dma_semaphore, #tpu.memory_space<semaphore_mem>>)
    %parallel_loop3A = arith.constant 0 : i32
    %parallel_loop3A_44 = arith.constant 80000 : i32
    %parallel_loop3A_45 = arith.constant 16 : i32
    scf.for %parallel_loop3A_52 = %parallel_loop3A to %parallel_loop3A_44 step %parallel_loop3A_45  : i32 {
      %parallel_loop3A_53 = arith.constant 0.000000e+00 : f32
      %parallel_loop3A_54 = vector.broadcast %parallel_loop3A_53 : f32 to vector<16xf32>
      %parallel_loop3A_55 = arith.index_cast %parallel_loop3A_52 : i32 to index
      %parallel_loop3A_56 = tpu.vector_load %arg12[%parallel_loop3A_55] {strides = array<i32>} : memref<80000xf32, #tpu.memory_space<vmem>>, vector<16xf32>,
      tpu.vector_store %arg12[%parallel_loop3A_55], %parallel_loop3A_54 {strides = array<i32>} : memref<80000xf32, #tpu.memory_space<vmem>>, vector<16xf32>,
    } {sc.loop_unroll_factor = 8 : i64, sc.parallel_access}
    %scan3A = arith.constant 0 : i32
    %scan3A_46 = arith.constant 32 : i32
    %scan3A_47 = arith.addi %scan3A, %scan3A_46 : i32
    %scan3A_48 = arith.constant 1 : i32
    scf.for %scan3A_52 = %scan3A to %scan3A_47 step %scan3A_48  : i32 {
      %mul3A_53 = arith.constant 2 : i32
      %mul3A_54 = arith.muli %scan3A_52, %mul3A_53 : i32
      %add3A_55 = arith.constant 0 : i32
      %add3A_56 = arith.addi %add3A_55, %mul3A_54 : i32
      %dma_wait3A = arith.constant 0 : i32
      %dma_wait3A_57 = arith.constant 0 : i32
      %dma_wait3A_58 = tpu.memref_slice %arg2[%dma_wait3A_57] : memref<256000xi32, #tpu.memory_space<hbm>> -> memref<4000xi32, #tpu.memory_space<hbm>>
      %dma_wait3A_59 = tpu.memref_slice %arg13[%dma_wait3A] : memref<2x!tpu.dma_semaphore, #tpu.memory_space<semaphore_mem>> -> memref<1x!tpu.dma_semaphore, #tpu.memory_space<semaphore_mem>>
      %dma_wait3A_60 = tpu.memref_squeeze %dma_wait3A_59 : memref<1x!tpu.dma_semaphore, #tpu.memory_space<semaphore_mem>> -> memref<!tpu.dma_semaphore, #tpu.memory_space<semaphore_mem>>
      %dma_wait3A_61 = arith.constant 0 : i32
      %dma_wait3A_62 = tpu.memref_slice %arg2[%dma_wait3A_61] : memref<256000xi32, #tpu.memory_space<hbm>> -> memref<4000xi32, #tpu.memory_space<hbm>>
      tpu.wait_dma2 semaphore(%dma_wait3A_60 : memref<!tpu.dma_semaphore, #tpu.memory_space<semaphore_mem>>) src(%dma_wait3A_62 : memref<4000xi32, #tpu.memory_space<hbm>>) dst(%arg6 : memref<4000xi32, #tpu.memory_space<vmem>>)
      %dma_wait3A_63 = arith.constant 0 : i32
      %dma_wait3A_64 = arith.constant 0 : i32
      %dma_wait3A_65 = tpu.memref_slice %arg3[%dma_wait3A_64] : memref<256000xi32, #tpu.memory_space<hbm>> -> memref<4000xi32, #tpu.memory_space<hbm>>
      %dma_wait3A_66 = tpu.memref_slice %arg13[%dma_wait3A_63] : memref<2x!tpu.dma_semaphore, #tpu.memory_space<semaphore_mem>> -> memref<1x!tpu.dma_semaphore, #tpu.memory_space<semaphore_mem>>
      %dma_wait3A_67 = tpu.memref_squeeze %dma_wait3A_66 : memref<1x!tpu.dma_semaphore, #tpu.memory_space<semaphore_mem>> -> memref<!tpu.dma_semaphore, #tpu.memory_space<semaphore_mem>>
      %dma_wait3A_68 = arith.constant 0 : i32
      %dma_wait3A_69 = tpu.memref_slice %arg3[%dma_wait3A_68] : memref<256000xi32, #tpu.memory_space<hbm>> -> memref<4000xi32, #tpu.memory_space<hbm>>
      tpu.wait_dma2 semaphore(%dma_wait3A_67 : memref<!tpu.dma_semaphore, #tpu.memory_space<semaphore_mem>>) src(%dma_wait3A_69 : memref<4000xi32, #tpu.memory_space<hbm>>) dst(%arg8 : memref<4000xi32, #tpu.memory_space<vmem>>)
      %dma_wait3A_70 = arith.constant 0 : i32
      %dma_wait3A_71 = arith.constant 0 : i32
      %dma_wait3A_72 = tpu.memref_slice %arg4[%dma_wait3A_71] : memref<256000xf32, #tpu.memory_space<hbm>> -> memref<4000xf32, #tpu.memory_space<hbm>>
      %dma_wait3A_73 = tpu.memref_slice %arg13[%dma_wait3A_70] : memref<2x!tpu.dma_semaphore, #tpu.memory_space<semaphore_mem>> -> memref<1x!tpu.dma_semaphore, #tpu.memory_space<semaphore_mem>>
      %dma_wait3A_74 = tpu.memref_squeeze %dma_wait3A_73 : memref<1x!tpu.dma_semaphore, #tpu.memory_space<semaphore_mem>> -> memref<!tpu.dma_semaphore, #tpu.memory_space<semaphore_mem>>
      %dma_wait3A_75 = arith.constant 0 : i32
      %dma_wait3A_76 = tpu.memref_slice %arg4[%dma_wait3A_75] : memref<256000xf32, #tpu.memory_space<hbm>> -> memref<4000xf32, #tpu.memory_space<hbm>>
      tpu.wait_dma2 semaphore(%dma_wait3A_74 : memref<!tpu.dma_semaphore, #tpu.memory_space<semaphore_mem>>) src(%dma_wait3A_76 : memref<4000xf32, #tpu.memory_space<hbm>>) dst(%arg10 : memref<4000xf32, #tpu.memory_space<vmem>>)
      %parallel_loop3A_77 = arith.constant 0 : i32
      %parallel_loop3A_78 = arith.constant 4000 : i32
      %parallel_loop3A_79 = arith.constant 16 : i32
      scf.for %parallel_loop3A_119 = %parallel_loop3A_77 to %parallel_loop3A_78 step %parallel_loop3A_79  : i32 {
        %parallel_loop3A_120 = arith.index_cast %parallel_loop3A_119 : i32 to index
        %parallel_loop3A_121 = tpu.vector_load %arg6[%parallel_loop3A_120] {strides = array<i32>} : memref<4000xi32, #tpu.memory_space<vmem>>, vector<16xi32>,
        %parallel_loop3A_122 = arith.index_cast %parallel_loop3A_119 : i32 to index
        %parallel_loop3A_123 = tpu.vector_load %arg8[%parallel_loop3A_122] {strides = array<i32>} : memref<4000xi32, #tpu.memory_space<vmem>>, vector<16xi32>,
        %parallel_loop3A_124 = arith.index_cast %parallel_loop3A_119 : i32 to index
        %parallel_loop3A_125 = tpu.vector_load %arg10[%parallel_loop3A_124] {strides = array<i32>} : memref<4000xf32, #tpu.memory_space<vmem>>, vector<16xf32>,
        %parallel_loop3A_126 = vector.broadcast %mul3A_2 : i32 to vector<16xi32>
        %parallel_loop3A_127 = arith.subi %parallel_loop3A_123, %parallel_loop3A_126 : vector<16xi32>
        %parallel_loop3A_128 = arith.constant 8 : i32
        %parallel_loop3A_129 = vector.broadcast %parallel_loop3A_128 : i32 to vector<16xi32>
        %parallel_loop3A_130 = arith.cmpi ult, %parallel_loop3A_127, %parallel_loop3A_129 : vector<16xi32>
        %parallel_loop3A_131 = arith.constant 10000 : i32
        %parallel_loop3A_132 = vector.broadcast %parallel_loop3A_131 : i32 to vector<16xi32>
        %parallel_loop3A_133 = arith.muli %parallel_loop3A_127, %parallel_loop3A_132 : vector<16xi32>
        %parallel_loop3A_134 = arith.addi %parallel_loop3A_133, %parallel_loop3A_121 : vector<16xi32>
        tpu.vector_store_idx %arg12[%parallel_loop3A_134], %parallel_loop3A_125 masked %parallel_loop3A_130 {add = true} : memref<80000xf32, #tpu.memory_space<vmem>>[vector<16xi32>], vector<16xf32>, vector<16xi1>
      } {sc.loop_unroll_factor = 16 : i64, sc.parallel_access}
      %add3A_80 = arith.constant 2 : i32
      %add3A_81 = arith.addi %add3A_56, %add3A_80 : i32
      %add3A_82 = arith.constant 0 : i32
      %add3A_83 = arith.addi %add3A_81, %add3A_82 : i32
      %lt3A = arith.constant 64 : i32
      %lt3A_84 = arith.cmpi slt, %add3A_83, %lt3A : i32
      %convert_element_type3A = arith.extui %lt3A_84 : i1 to i32
      %cond3A = arith.constant 0 : i32
      %cond3A_85 = arith.cmpi ne, %convert_element_type3A, %cond3A : i32
      scf.if %cond3A_85 {
        %add3A_119 = arith.constant 2 : i32
        %add3A_120 = arith.addi %add3A_56, %add3A_119 : i32
        %add3A_121 = arith.constant 0 : i32
        %add3A_122 = arith.addi %add3A_120, %add3A_121 : i32
        %mul3A_123 = arith.constant 4000 : i32
        %mul3A_124 = arith.muli %add3A_122, %mul3A_123 : i32
        %dma_start3A_125 = arith.constant 0 : i32
        %dma_start3A_126 = tpu.memref_slice %arg2[%mul3A_124] : memref<256000xi32, #tpu.memory_space<hbm>> -> memref<4000xi32, #tpu.memory_space<hbm>>
        %dma_start3A_127 = tpu.memref_slice %arg13[%dma_start3A_125] : memref<2x!tpu.dma_semaphore, #tpu.memory_space<semaphore_mem>> -> memref<1x!tpu.dma_semaphore, #tpu.memory_space<semaphore_mem>>
        %dma_start3A_128 = tpu.memref_squeeze %dma_start3A_127 : memref<1x!tpu.dma_semaphore, #tpu.memory_space<semaphore_mem>> -> memref<!tpu.dma_semaphore, #tpu.memory_space<semaphore_mem>>
        %dma_start3A_129 = tpu.memref_slice %arg2[%mul3A_124] : memref<256000xi32, #tpu.memory_space<hbm>> -> memref<4000xi32, #tpu.memory_space<hbm>>
        tpu.enqueue_dma source(%dma_start3A_129 : memref<4000xi32, #tpu.memory_space<hbm>>) target(%arg6 : memref<4000xi32, #tpu.memory_space<vmem>>) target_semaphore(%dma_start3A_128 : memref<!tpu.dma_semaphore, #tpu.memory_space<semaphore_mem>>)
        %dma_start3A_130 = arith.constant 0 : i32
        %dma_start3A_131 = tpu.memref_slice %arg3[%mul3A_124] : memref<256000xi32, #tpu.memory_space<hbm>> -> memref<4000xi32, #tpu.memory_space<hbm>>
        %dma_start3A_132 = tpu.memref_slice %arg13[%dma_start3A_130] : memref<2x!tpu.dma_semaphore, #tpu.memory_space<semaphore_mem>> -> memref<1x!tpu.dma_semaphore, #tpu.memory_space<semaphore_mem>>
        %dma_start3A_133 = tpu.memref_squeeze %dma_start3A_132 : memref<1x!tpu.dma_semaphore, #tpu.memory_space<semaphore_mem>> -> memref<!tpu.dma_semaphore, #tpu.memory_space<semaphore_mem>>
        %dma_start3A_134 = tpu.memref_slice %arg3[%mul3A_124] : memref<256000xi32, #tpu.memory_space<hbm>> -> memref<4000xi32, #tpu.memory_space<hbm>>
        tpu.enqueue_dma source(%dma_start3A_134 : memref<4000xi32, #tpu.memory_space<hbm>>) target(%arg8 : memref<4000xi32, #tpu.memory_space<vmem>>) target_semaphore(%dma_start3A_133 : memref<!tpu.dma_semaphore, #tpu.memory_space<semaphore_mem>>)
        %dma_start3A_135 = arith.constant 0 : i32
        %dma_start3A_136 = tpu.memref_slice %arg4[%mul3A_124] : memref<256000xf32, #tpu.memory_space<hbm>> -> memref<4000xf32, #tpu.memory_space<hbm>>
        %dma_start3A_137 = tpu.memref_slice %arg13[%dma_start3A_135] : memref<2x!tpu.dma_semaphore, #tpu.memory_space<semaphore_mem>> -> memref<1x!tpu.dma_semaphore, #tpu.memory_space<semaphore_mem>>
        %dma_start3A_138 = tpu.memref_squeeze %dma_start3A_137 : memref<1x!tpu.dma_semaphore, #tpu.memory_space<semaphore_mem>> -> memref<!tpu.dma_semaphore, #tpu.memory_space<semaphore_mem>>
        %dma_start3A_139 = tpu.memref_slice %arg4[%mul3A_124] : memref<256000xf32, #tpu.memory_space<hbm>> -> memref<4000xf32, #tpu.memory_space<hbm>>
        tpu.enqueue_dma source(%dma_start3A_139 : memref<4000xf32, #tpu.memory_space<hbm>>) target(%arg10 : memref<4000xf32, #tpu.memory_space<vmem>>) target_semaphore(%dma_start3A_138 : memref<!tpu.dma_semaphore, #tpu.memory_space<semaphore_mem>>)
      } else {
      }
      %dma_wait3A_86 = arith.constant 1 : i32
      %dma_wait3A_87 = arith.constant 0 : i32
      %dma_wait3A_88 = tpu.memref_slice %arg2[%dma_wait3A_87] : memref<256000xi32, #tpu.memory_space<hbm>> -> memref<4000xi32, #tpu.memory_space<hbm>>
      %dma_wait3A_89 = tpu.memref_slice %arg13[%dma_wait3A_86] : memref<2x!tpu.dma_semaphore, #tpu.memory_space<semaphore_mem>> -> memref<1x!tpu.dma_semaphore, #tpu.memory_space<semaphore_mem>>
      %dma_wait3A_90 = tpu.memref_squeeze %dma_wait3A_89 : memref<1x!tpu.dma_semaphore, #tpu.memory_space<semaphore_mem>> -> memref<!tpu.dma_semaphore, #tpu.memory_space<semaphore_mem>>
      %dma_wait3A_91 = arith.constant 0 : i32
      %dma_wait3A_92 = tpu.memref_slice %arg2[%dma_wait3A_91] : memref<256000xi32, #tpu.memory_space<hbm>> -> memref<4000xi32, #tpu.memory_space<hbm>>
      tpu.wait_dma2 semaphore(%dma_wait3A_90 : memref<!tpu.dma_semaphore, #tpu.memory_space<semaphore_mem>>) src(%dma_wait3A_92 : memref<4000xi32, #tpu.memory_space<hbm>>) dst(%arg7 : memref<4000xi32, #tpu.memory_space<vmem>>)
      %dma_wait3A_93 = arith.constant 1 : i32
      %dma_wait3A_94 = arith.constant 0 : i32
      %dma_wait3A_95 = tpu.memref_slice %arg3[%dma_wait3A_94] : memref<256000xi32, #tpu.memory_space<hbm>> -> memref<4000xi32, #tpu.memory_space<hbm>>
      %dma_wait3A_96 = tpu.memref_slice %arg13[%dma_wait3A_93] : memref<2x!tpu.dma_semaphore, #tpu.memory_space<semaphore_mem>> -> memref<1x!tpu.dma_semaphore, #tpu.memory_space<semaphore_mem>>
      %dma_wait3A_97 = tpu.memref_squeeze %dma_wait3A_96 : memref<1x!tpu.dma_semaphore, #tpu.memory_space<semaphore_mem>> -> memref<!tpu.dma_semaphore, #tpu.memory_space<semaphore_mem>>
      %dma_wait3A_98 = arith.constant 0 : i32
      %dma_wait3A_99 = tpu.memref_slice %arg3[%dma_wait3A_98] : memref<256000xi32, #tpu.memory_space<hbm>> -> memref<4000xi32, #tpu.memory_space<hbm>>
      tpu.wait_dma2 semaphore(%dma_wait3A_97 : memref<!tpu.dma_semaphore, #tpu.memory_space<semaphore_mem>>) src(%dma_wait3A_99 : memref<4000xi32, #tpu.memory_space<hbm>>) dst(%arg9 : memref<4000xi32, #tpu.memory_space<vmem>>)
      %dma_wait3A_100 = arith.constant 1 : i32
      %dma_wait3A_101 = arith.constant 0 : i32
      %dma_wait3A_102 = tpu.memref_slice %arg4[%dma_wait3A_101] : memref<256000xf32, #tpu.memory_space<hbm>> -> memref<4000xf32, #tpu.memory_space<hbm>>
      %dma_wait3A_103 = tpu.memref_slice %arg13[%dma_wait3A_100] : memref<2x!tpu.dma_semaphore, #tpu.memory_space<semaphore_mem>> -> memref<1x!tpu.dma_semaphore, #tpu.memory_space<semaphore_mem>>
      %dma_wait3A_104 = tpu.memref_squeeze %dma_wait3A_103 : memref<1x!tpu.dma_semaphore, #tpu.memory_space<semaphore_mem>> -> memref<!tpu.dma_semaphore, #tpu.memory_space<semaphore_mem>>
      %dma_wait3A_105 = arith.constant 0 : i32
      %dma_wait3A_106 = tpu.memref_slice %arg4[%dma_wait3A_105] : memref<256000xf32, #tpu.memory_space<hbm>> -> memref<4000xf32, #tpu.memory_space<hbm>>
      tpu.wait_dma2 semaphore(%dma_wait3A_104 : memref<!tpu.dma_semaphore, #tpu.memory_space<semaphore_mem>>) src(%dma_wait3A_106 : memref<4000xf32, #tpu.memory_space<hbm>>) dst(%arg11 : memref<4000xf32, #tpu.memory_space<vmem>>)
      %parallel_loop3A_107 = arith.constant 0 : i32
      %parallel_loop3A_108 = arith.constant 4000 : i32
      %parallel_loop3A_109 = arith.constant 16 : i32
      scf.for %parallel_loop3A_119 = %parallel_loop3A_107 to %parallel_loop3A_108 step %parallel_loop3A_109  : i32 {
        %parallel_loop3A_120 = arith.index_cast %parallel_loop3A_119 : i32 to index
        %parallel_loop3A_121 = tpu.vector_load %arg7[%parallel_loop3A_120] {strides = array<i32>} : memref<4000xi32, #tpu.memory_space<vmem>>, vector<16xi32>,
        %parallel_loop3A_122 = arith.index_cast %parallel_loop3A_119 : i32 to index
        %parallel_loop3A_123 = tpu.vector_load %arg9[%parallel_loop3A_122] {strides = array<i32>} : memref<4000xi32, #tpu.memory_space<vmem>>, vector<16xi32>,
        %parallel_loop3A_124 = arith.index_cast %parallel_loop3A_119 : i32 to index
        %parallel_loop3A_125 = tpu.vector_load %arg11[%parallel_loop3A_124] {strides = array<i32>} : memref<4000xf32, #tpu.memory_space<vmem>>, vector<16xf32>,
        %parallel_loop3A_126 = vector.broadcast %mul3A_2 : i32 to vector<16xi32>
        %parallel_loop3A_127 = arith.subi %parallel_loop3A_123, %parallel_loop3A_126 : vector<16xi32>
        %parallel_loop3A_128 = arith.constant 8 : i32
        %parallel_loop3A_129 = vector.broadcast %parallel_loop3A_128 : i32 to vector<16xi32>
        %parallel_loop3A_130 = arith.cmpi ult, %parallel_loop3A_127, %parallel_loop3A_129 : vector<16xi32>
        %parallel_loop3A_131 = arith.constant 10000 : i32
        %parallel_loop3A_132 = vector.broadcast %parallel_loop3A_131 : i32 to vector<16xi32>
        %parallel_loop3A_133 = arith.muli %parallel_loop3A_127, %parallel_loop3A_132 : vector<16xi32>
        %parallel_loop3A_134 = arith.addi %parallel_loop3A_133, %parallel_loop3A_121 : vector<16xi32>
        tpu.vector_store_idx %arg12[%parallel_loop3A_134], %parallel_loop3A_125 masked %parallel_loop3A_130 {add = true} : memref<80000xf32, #tpu.memory_space<vmem>>[vector<16xi32>], vector<16xf32>, vector<16xi1>
      } {sc.loop_unroll_factor = 16 : i64, sc.parallel_access}
      %add3A_110 = arith.constant 2 : i32
      %add3A_111 = arith.addi %add3A_56, %add3A_110 : i32
      %add3A_112 = arith.constant 1 : i32
      %add3A_113 = arith.addi %add3A_111, %add3A_112 : i32
      %lt3A_114 = arith.constant 64 : i32
      %lt3A_115 = arith.cmpi slt, %add3A_113, %lt3A_114 : i32
      %convert_element_type3A_116 = arith.extui %lt3A_115 : i1 to i32
      %cond3A_117 = arith.constant 0 : i32
      %cond3A_118 = arith.cmpi ne, %convert_element_type3A_116, %cond3A_117 : i32
      scf.if %cond3A_118 {
        %add3A_119 = arith.constant 2 : i32
        %add3A_120 = arith.addi %add3A_56, %add3A_119 : i32
        %add3A_121 = arith.constant 1 : i32
        %add3A_122 = arith.addi %add3A_120, %add3A_121 : i32
        %mul3A_123 = arith.constant 4000 : i32
        %mul3A_124 = arith.muli %add3A_122, %mul3A_123 : i32
        %dma_start3A_125 = arith.constant 1 : i32
        %dma_start3A_126 = tpu.memref_slice %arg2[%mul3A_124] : memref<256000xi32, #tpu.memory_space<hbm>> -> memref<4000xi32, #tpu.memory_space<hbm>>
        %dma_start3A_127 = tpu.memref_slice %arg13[%dma_start3A_125] : memref<2x!tpu.dma_semaphore, #tpu.memory_space<semaphore_mem>> -> memref<1x!tpu.dma_semaphore, #tpu.memory_space<semaphore_mem>>
        %dma_start3A_128 = tpu.memref_squeeze %dma_start3A_127 : memref<1x!tpu.dma_semaphore, #tpu.memory_space<semaphore_mem>> -> memref<!tpu.dma_semaphore, #tpu.memory_space<semaphore_mem>>
        %dma_start3A_129 = tpu.memref_slice %arg2[%mul3A_124] : memref<256000xi32, #tpu.memory_space<hbm>> -> memref<4000xi32, #tpu.memory_space<hbm>>
        tpu.enqueue_dma source(%dma_start3A_129 : memref<4000xi32, #tpu.memory_space<hbm>>) target(%arg7 : memref<4000xi32, #tpu.memory_space<vmem>>) target_semaphore(%dma_start3A_128 : memref<!tpu.dma_semaphore, #tpu.memory_space<semaphore_mem>>)
        %dma_start3A_130 = arith.constant 1 : i32
        %dma_start3A_131 = tpu.memref_slice %arg3[%mul3A_124] : memref<256000xi32, #tpu.memory_space<hbm>> -> memref<4000xi32, #tpu.memory_space<hbm>>
        %dma_start3A_132 = tpu.memref_slice %arg13[%dma_start3A_130] : memref<2x!tpu.dma_semaphore, #tpu.memory_space<semaphore_mem>> -> memref<1x!tpu.dma_semaphore, #tpu.memory_space<semaphore_mem>>
        %dma_start3A_133 = tpu.memref_squeeze %dma_start3A_132 : memref<1x!tpu.dma_semaphore, #tpu.memory_space<semaphore_mem>> -> memref<!tpu.dma_semaphore, #tpu.memory_space<semaphore_mem>>
        %dma_start3A_134 = tpu.memref_slice %arg3[%mul3A_124] : memref<256000xi32, #tpu.memory_space<hbm>> -> memref<4000xi32, #tpu.memory_space<hbm>>
        tpu.enqueue_dma source(%dma_start3A_134 : memref<4000xi32, #tpu.memory_space<hbm>>) target(%arg9 : memref<4000xi32, #tpu.memory_space<vmem>>) target_semaphore(%dma_start3A_133 : memref<!tpu.dma_semaphore, #tpu.memory_space<semaphore_mem>>)
        %dma_start3A_135 = arith.constant 1 : i32
        %dma_start3A_136 = tpu.memref_slice %arg4[%mul3A_124] : memref<256000xf32, #tpu.memory_space<hbm>> -> memref<4000xf32, #tpu.memory_space<hbm>>
        %dma_start3A_137 = tpu.memref_slice %arg13[%dma_start3A_135] : memref<2x!tpu.dma_semaphore, #tpu.memory_space<semaphore_mem>> -> memref<1x!tpu.dma_semaphore, #tpu.memory_space<semaphore_mem>>
        %dma_start3A_138 = tpu.memref_squeeze %dma_start3A_137 : memref<1x!tpu.dma_semaphore, #tpu.memory_space<semaphore_mem>> -> memref<!tpu.dma_semaphore, #tpu.memory_space<semaphore_mem>>
        %dma_start3A_139 = tpu.memref_slice %arg4[%mul3A_124] : memref<256000xf32, #tpu.memory_space<hbm>> -> memref<4000xf32, #tpu.memory_space<hbm>>
        tpu.enqueue_dma source(%dma_start3A_139 : memref<4000xf32, #tpu.memory_space<hbm>>) target(%arg11 : memref<4000xf32, #tpu.memory_space<vmem>>) target_semaphore(%dma_start3A_138 : memref<!tpu.dma_semaphore, #tpu.memory_space<semaphore_mem>>)
      } else {
      }
    }
    %scan3A_49 = arith.constant 32 : i32
    %mul3A_50 = arith.constant 10000 : i32
    %mul3A_51 = arith.muli %mul3A_2, %mul3A_50 : i32
    "tpu.region"() ({
      %run_scoped3A = tpu.sem_alloc : memref<!tpu.dma_semaphore, #tpu.memory_space<semaphore_mem>>
      %dma_start3A_52 = tpu.memref_slice %arg5[%mul3A_51] : memref<2560000xf32, #tpu.memory_space<hbm>> -> memref<80000xf32, #tpu.memory_space<hbm>>
      %dma_start3A_53 = tpu.memref_slice %arg5[%mul3A_51] : memref<2560000xf32, #tpu.memory_space<hbm>> -> memref<80000xf32, #tpu.memory_space<hbm>>
      tpu.enqueue_dma source(%arg12 : memref<80000xf32, #tpu.memory_space<vmem>>) target(%dma_start3A_53 : memref<80000xf32, #tpu.memory_space<hbm>>) target_semaphore(%run_scoped3A : memref<!tpu.dma_semaphore, #tpu.memory_space<semaphore_mem>>)
      %dma_wait3A = tpu.memref_slice %arg5[%mul3A_51] : memref<2560000xf32, #tpu.memory_space<hbm>> -> memref<80000xf32, #tpu.memory_space<hbm>>
      %dma_wait3A_54 = tpu.memref_slice %arg5[%mul3A_51] : memref<2560000xf32, #tpu.memory_space<hbm>> -> memref<80000xf32, #tpu.memory_space<hbm>>
      tpu.wait_dma2 semaphore(%run_scoped3A : memref<!tpu.dma_semaphore, #tpu.memory_space<semaphore_mem>>) src(%arg12 : memref<80000xf32, #tpu.memory_space<vmem>>) dst(%dma_wait3A_54 : memref<80000xf32, #tpu.memory_space<hbm>>)
      tpu.yield
    }) : () -> ()
    return
  }
}

</mosaic_0001>

<sc_bundles>
// kernel: kernel.3.cloned.1.call-start
scs
__scs_entry_jumppad:
0x0: {  	(pc) =	sbr.rel $0x88, $3  }
0x1: {  	(tag) =	ssettag $0x0;
	lr =	simm.s32 $0x1  }
0x2: {  	[smem:$0x3F9F] =	sst lr;
	_ =	strace $0xD0000000  }
0x3: {  	_ = 	snop  }
0x4: {  	_ = 	snop  }
0x5: {  	_ = 	snop  }
0x6: {  	_ = 	snop  }
0x7: {  	_ = 	snop  }
__scs_overlays_trampoline_lowered:
0x8: {  	[smem:$0x3FAE] =	sst s0  }
0x9: {  	[smem:$0x3FAF] =	sst s1  }
0xa: {  	[smem:$0x3FB0] =	sst s2  }
0xb: {  	[smem:$0x3FB1] =	sst s3  }
0xc: {  	[smem:$0x3FB2] =	sst s4  }
0xd: {  	[smem:$0x3FB3] =	sst s5  }
0xe: {  	[smem:$0x3FB4] =	sst s6  }
0xf: {  	[smem:$0x3FB5] =	sst s7  }
0x10: {  	[smem:$0x3FB6] =	sst s8  }
0x11: {  	[smem:$0x3FB7] =	sst s9;
	s0 =	simm.s32 @!p0 $0x0  }
0x12: {  	s1 =	sld [smem:$0x3F9D];
	s0 =	simm.s32 @p0 $0x1  }
0x13: {  	[smem:$0x3FB8] =	sst s0;
	s0 =	simm.s32 @!p1 $0x0  }
0x14: {  	s2 =	sld [smem:$0x3F9C];
	s0 =	simm.s32 @p1 $0x1  }
0x15: {  	[smem:$0x3FB9] =	sst s0;
	s0 =	simm.s32 @!p2 $0x0  }
0x16: {  	s3 =	sld [smem:$0x3FDB];
	s0 =	simm.s32 @p2 $0x1  }
0x17: {  	s4 =	simm.s32 $0x1BF5;
	[smem:$0x3FBB] =	sst s0  }
0x18: {  	s0 =	sld [smem:$0x3F9E];
	_ =	swait.ge [sflag:s4], $0x0  }
0x19: {  	s7 =	sld [smem:$0x3F9F]  }
0x1a: {  	s8 =	sadd.s32 $0xFFFFE003, lr  }
0x1b: {  	s9 =	sadd.s32 $0xFFFFFEF7, lr;
	s5 =	simm.s32 $0xFFFFFFFF;
	p2 =	slt.u32 s8, $0xFFFFF086  }
0x1c: {  	p1 =	slt.u32 s9, $0xF7A;
	s5 =	simm.s32 @!p2 $0x0  }
0x1d: {  	s5 =	simm.s32 @p1 $0x1;
	p0 =	seq.s32 s7, s2  }
0x1e: {  	s7 =	smul.u32 @!p0 $0xF7A, s2;
	p2 =	seq.s32 @!p0 s5, $0x0  }
0x1f: {  	s9 =	smul.u32 $0xF7A, s1;
	s8 =	simm.s32 @!p0 $0x1BF5;
	p2 =	por !p2, p0  }
0x20: {  	[sflag:s8] =	ssyncset.s32 @!p0 $0xFFFFF086;
	s6 =	sadd.s32 @!p0 s3, s7;
	s7 =	simm.s32 @!p0 $0x108  }
0x21: {  	s3 =	sadd.s32 s3, s9;
	s6 =	sadd.s32 @!p0 $0x88, s6;
	s7 =	simm.s32 @p2 $0x1082  }
0x22: {  	[simem:s7], [sflag:s8] =	dma.local @!p0 [hbm:s6], $0xF7A  }
0x23: {  	s9 =	sor.u32 $0xD0000000, s2;
	s6 =	simm.s32 $0x108;
	_ =	swait.ge @!p0 [sflag:s8], $0x0  }
0x24: {  	s3 =	sadd.s32 $0x88, s3;
	s6 =	simm.s32 @!p1 $0x1082;
	[sflag:s4] =	ssyncset.s32 $0xFFFFF086  }
0x25: {  	[simem:s6], [sflag:s4] =	dma.local [hbm:s3], $0xF7A  }
0x26: {  	[smem:$0x3F9F] =	sst s1;
	(tag) =	ssettag s2;
	_ =	strace s9  }
0x27: {  	s1 =	sld [smem:$0x3FAF]  }
0x28: {  	s2 =	sld [smem:$0x3FB0]  }
0x29: {  	s4 =	sld [smem:$0x3FB2]  }
0x2a: {  	p0 =	seq.s32 s5, $0x0;
	s5 =	sld [smem:$0x3FB3]  }
0x2b: {  	s6 =	sld [smem:$0x3FB4]  }
0x2c: {  	s7 =	sld [smem:$0x3FB5]  }
0x2d: {  	s3 =	simm.s32 $0x108;
	s8 =	sld [smem:$0x3FB6]  }
0x2e: {  	s3 =	simm.s32 @!p0 $0x1082;
	s9 =	sld [smem:$0x3FB7]  }
0x2f: {  	lr =	sadd.s32 s0, s3;
	s0 =	sld [smem:$0x3FAE]  }
0x30: {  	s3 =	sld [smem:$0x3FB1]  }
0x31: {  	[smem:$0x3FBA] =	sst s10  }
0x32: {  	s10 =	sld [smem:$0x3FB8];
	_ =	sdelay $0x3  }
0x33: {  	p0 =	seq.s32 s10, $0x1;
	s10 =	sld [smem:$0x3FBA];
	_ =	sdelay $0x3  }
0x34: {  	[smem:$0x3FBA] =	sst s10  }
0x35: {  	s10 =	sld [smem:$0x3FB9];
	_ =	sdelay $0x3  }
0x36: {  	p1 =	seq.s32 s10, $0x1;
	s10 =	sld [smem:$0x3FBA];
	_ =	sdelay $0x3  }
0x37: {  	[smem:$0x3FBA] =	sst s10  }
0x38: {  	s10 =	sld [smem:$0x3FBB]  }
0x39: {  	_ = 	snop;
	(pc) =	sbr.ind lr, $3  }
0x3a: {  	_ = 	snop  }
0x3b: {  	_ = 	snop  }
0x3c: {  	p2 =	seq.s32 s10, $0x1;
	s10 =	sld [smem:$0x3FBA]  }
0x3d: {  	_ =	shalt  }
0x3e: {  	_ =	shalt  }
0x3f: {  	_ =	shalt  }
0x40: {  	_ =	shalt  }
0x41: {  	_ =	shalt  }
0x42: {  	_ =	shalt  }
0x43: {  	_ =	shalt  }
0x44: {  	_ =	shalt  }
0x45: {  	_ =	shalt  }
0x46: {  	_ =	shalt  }
0x47: {  	_ =	shalt  }
0x48: {  	_ =	shalt  }
0x49: {  	_ =	shalt  }
0x4a: {  	_ =	shalt  }
0x4b: {  	_ =	shalt  }
0x4c: {  	_ =	shalt  }
0x4d: {  	_ =	shalt  }
0x4e: {  	_ =	shalt  }
0x4f: {  	_ =	shalt  }
0x50: {  	_ =	shalt  }
0x51: {  	_ =	shalt  }
0x52: {  	_ =	shalt  }
0x53: {  	_ =	shalt  }
0x54: {  	_ =	shalt  }
0x55: {  	_ =	shalt  }
0x56: {  	_ =	shalt  }
0x57: {  	_ =	shalt  }
0x58: {  	_ =	shalt  }
0x59: {  	_ =	shalt  }
0x5a: {  	_ =	shalt  }
0x5b: {  	_ =	shalt  }
0x5c: {  	_ =	shalt  }
0x5d: {  	_ =	shalt  }
0x5e: {  	_ =	shalt  }
0x5f: {  	_ =	shalt  }
0x60: {  	_ =	shalt  }
0x61: {  	_ =	shalt  }
0x62: {  	_ =	shalt  }
0x63: {  	_ =	shalt  }
0x64: {  	_ =	shalt  }
0x65: {  	_ =	shalt  }
0x66: {  	_ =	shalt  }
0x67: {  	_ =	shalt  }
0x68: {  	_ =	shalt  }
0x69: {  	_ =	shalt  }
0x6a: {  	_ =	shalt  }
0x6b: {  	_ =	shalt  }
0x6c: {  	_ =	shalt  }
0x6d: {  	_ =	shalt  }
0x6e: {  	_ =	shalt  }
0x6f: {  	_ =	shalt  }
0x70: {  	_ =	shalt  }
0x71: {  	_ =	shalt  }
0x72: {  	_ =	shalt  }
0x73: {  	_ =	shalt  }
0x74: {  	_ =	shalt  }
0x75: {  	_ =	shalt  }
0x76: {  	_ =	shalt  }
0x77: {  	_ =	shalt  }
0x78: {  	_ =	shalt  }
0x79: {  	_ =	shalt  }
0x7a: {  	_ =	shalt  }
0x7b: {  	_ =	shalt  }
0x7c: {  	_ =	shalt  }
0x7d: {  	_ =	shalt  }
0x7e: {  	_ =	shalt  }
0x7f: {  	_ =	shalt  }
0x80: {  	_ =	shalt  }
0x81: {  	_ =	shalt  }
0x82: {  	_ =	shalt  }
0x83: {  	_ =	shalt  }
0x84: {  	_ =	shalt  }
0x85: {  	_ =	shalt  }
0x86: {  	_ =	shalt  }
0x87: {  	_ =	shalt  }
.Lfunc_end0:
.L_simem_size_0:
called_computation_lowered:
.L_overlay_start_0:
0x88: {  	s2 =	sld [smem:$0x3FD9]  }
0x89: {  	s3 =	sld [smem:$0x3FFE];
	_ =	sdelay $0x1  }
0x8a: {  	s1 =	srdreg.scid  }
0x8b: {  	s0 =	sand.u32 $0x1, s1  }
0x8c: {  	s16 =	sshll.u32 s0, $0xA;
	s2 =	sadd.s32 s3, s2  }
0x8d: {  	s2 =	sadd.s32 s2, s16  }
0x8e: {  	[smem:$0x3FC6] =	sst s2  }
0x8f: {  	_ = 	snop  }
0x90: {  	(tm) =	ssettm $0x1  }
0x91: {  	s17 =	sld [smem:$0x3FFB];
	_ =	sdelay $0x3  }
0x92: {  	_ =	strace s17  }
0x93: {  	s2 =	sld [smem:$0x3FFC];
	_ =	sdelay $0x3  }
0x94: {  	_ =	strace s2  }
0x95: {  	s2 =	sld [smem:$0x3FFD];
	_ =	sdelay $0x3  }
0x96: {  	_ =	strace s2  }
0x97: {  	_ =	strace $0x8FFFFFFF  }
0x98: {  	s18 =	sld [smem:$0x3FDB];
	_ =	sdelay $0x1  }
0x99: {  	s19 =	simm.s32 $_scs_section_size  }
0x9a: {  	s4 =	simm.s32 $_size__tile_overlayer_lowered;
	s5 =	simm.s32 $_tile_overlayer_lowered  }
0x9b: {  	s22 =	simm.s32 $0x1BFF;
	s21 =	sshll.u32 s5, $0x1;
	s2 =	sadd.s32 s19, s18  }
0x9c: {  	s6 =	simm.s32 $0x0;
	s20 =	sshll.u32 s4, $0x1;
	s4 =	sadd.s32 s21, s2  }
0x9d: {  	[timem:s6], [sflag:s22] =	dma.local [hbm:s4], s20  }
0x9e: {  	_ =	swait.ge [sflag:s22], s20  }
0x9f: {  	s3 =	ssub.s32 $0x0, s20;
	[sflag:s22] =	ssyncset.done $0x0  }
0xa0: {  	[sflag:s22] =	ssyncadd.s32 s3;
	_ =	sdelay $0x1  }
0xa1: {  	s23 =	simm.s32 $0x1B8B  }
0xa2: {  	_ =	swait.ge [sflag:s23], $0x1  }
0xa3: {  	[sflag:s23] =	ssyncset.done $0x0  }
0xa4: {  	s25 =	simm.s32 $0x1B8E;
	s24 =	sld [smem:$0x3FFE];
	[sflag:s23] =	ssyncadd.s32 $0xFFFFFFFF  }
0xa5: {  	s26 =	simm.s32 $execute0_lowered;
	[smem:$0x3FD2] =	sst s25  }
0xa6: {  	s4 =	sshll.u32 s26, $0x1;
	_ =	strace $0x80000046;
	[dreg:$0x1] =	wrdreg $0xFFFFFFFF  }
0xa7: {  	s28 =	simm.s32 $_size_execute0_lowered;
	s2 =	sadd.s32 s2, s4;
	[dreg:$0x0] =	wrdreg $0x0  }
0xa8: {  	s4 =	sshll.u32 s28, $0x1;
	[dreg:$0x2] =	wrdreg s2  }
0xa9: {  	[dreg:$0x3] =	wrdreg s4  }
0xaa: {  	[dreg:$0x4] =	wrdreg $0xC0  }
0xab: {  	_ =	task [dreg:s6], $0x5FFFF  }
0xac: {  	[dreg:$0x1] =	wrdreg $0xFFFFFFFF  }
0xad: {  	[dreg:$0x0] =	wrdreg $0x60  }
0xae: {  	[dreg:$0x2] =	wrdreg s24  }
0xaf: {  	[dreg:$0x3] =	wrdreg $0x9  }
0xb0: {  	_ =	task.clear_ibuf [dreg:s6], $0x4FFFF;
	_ =	strace $0x90000046  }
0xb1: {  	s29 =	simm.s32 $0x9;
	_ =	strace $0x80000048  }
0xb2: {  	_ =	swait.ge [sflag:s29], $0x1  }
0xb3: {  	[sflag:s29] =	ssyncadd.s32 $0xFFFFFFFF  }
0xb4: {  	_ =	strace $0x90000048  }
0xb5: {  	_ =	sfence  }
0xb6: {  	s30 =	sld [smem:$0x0];
	_ =	sdelay $0x2  }
0xb7: {  	s31 =	sshll.u32 s1, $0xD;
	s1 =	sshrl.u32 s1, $0x2  }
0xb8: {  	s3 =	sand.u32 $0x4000, s31;
	s1 =	sadd.s32 s1, s30  }
0xb9: {  	s0 =	sor.u32 s3, s0;
	s1 =	sshll.u32 s1, $0x11  }
0xba: {  	s0 =	sor.u32 s1, s0  }
0xbb: {  	s0 =	sadd.s32 $0x8F2B, s0  }
0xbc: {  	[sflag:s0] =	ssyncadd.remote.s32 $0x1  }
0xbd: {  	_ =	sfence.sel $0xFFFF  }
0xbe: {  	[dreg:$0x0] =	wrdreg $0xFFFFFFFF;
	(pc) =	sbr.abs _section_cstart, $3  }
0xbf: {  	[dreg:$0x1] =	wrdreg $0xFFFFFFFF  }
0xc0: {  	_ =	task.clear_ibuf [dreg:s6], $0x2FFFF;
	_ =	strace $0x9FFFFFFF  }
0xc1: {  	(tm) =	ssettm $0x7FFFFFFF  }
tec
execute0_lowered:
.L_overlay_start_1:
0x0: {  	(tag) =	ssettag $0x1  }
0x1: {  	s2 =	rddreg [dreg:$0x0]  }
0x2: {  	s0 =	rddreg [dreg:$0x1]  }
0x3: {  	s4 =	srdreg.scid;
	s1 =	stileid.u32  }
0x4: {  	s3 =	simm.s32 $0x0;
	s12 =	simm.s32 $0x4000;
	s13 =	simm.s32 $0x1000  }
0x5: {  	s14 =	simm.s32 $0x3000;
	s15 =	simm.s32 $0x5000;
	s16 =	simm.s32 $0x1  }
0x6: {  	s17 =	simm.s32 $0x6000;
	s19 =	simm.s32 $0x3;
	s20 =	simm.s32 $0x0  }
0x7: {  	s4 =	sand.u32 $0x1, s4;
	s5 =	sshll.u32 s1, $0x1;
	[smem:$0x7FF] =	sst s3  }
0x8: {  	s6 =	sor.u32 s4, s5;
	_ =	strace $0x80000047;
	s8 =	ssub.s32 $0x2, s4  }
.Ltmp0:
0x9: {  	s4 =	sadd.s32 $0x7E00, s2;
	s5 =	sadd.s32 $0xFC00, s2;
	(pc) =	sbr.rel .LBB2_1-.Ltmp0, $4  }
0xa: {  	s7 =	smul.u32 $0x2710, s6;
	s9 =	sshrl.u32 s8, $0x1;
	s18 =	sshll.u32 s6, $0x3  }
0xb: {  	s6 =	sadd.s32 $0x7FF4, s2;
	s11 =	ssub.s32 s8, s9;
	s8 =	sadd.s32 $0xFDF4, s2  }
0xc: {  	v0 =	vmov s18;
	s18 =	simm.s32 $0x2;
	s10 =	sadd.s32 s7, s2;
	s7 =	sadd.s32 $0x1F4, s2  }
0xd: {  	v1 =	vimm.f32 $0.0e+00;
	s9 =	sadd.s32 $0x17A00, s10;
	s10 =	smax.u32 s11, $0x1;
	s11 =	simm.s32 $0x2000  }
.LBB2_12:
0xe: {  	s20 =	sadd.s32 $0x1, s20  }
0xf: {  	p0 =	sne.s32 s20, s10  }
.Ltmp1:
0x10: {  	_ = 	snop;
	(pc) =	sbr.rel @!p0 .LBB2_13-.Ltmp1, $4  }
0x11: {  	[hbm4b:s9+s3] =	stream.linear.scatter [tilespmem:s17], [sflag:$0x3], $0x13880, $0x38;
	[tilespmem:$0x19880] =	vst v63  }
0x12: {  	_ =	swait.ge [sflag:s19], $0x13880  }
0x13: {  	[sflag:s19] =	ssyncset.done $0x0  }
0x14: {  	[sflag:s19] =	ssyncadd.s32 $0xFFFEC780  }
.LBB2_1:
0x15: {  	[tilespmem:s3], [sflag:$0x1] =	stream.linear.gather [hbm4b:s4+s3], $0xFA0, $0x38;
	[tilespmem:$0x19880] =	vst v63  }
0x16: {  	_ = 	snop  }
0x17: {  	[tilespmem:s11], [sflag:$0x1] =	stream.linear.gather [hbm4b:s2+s3], $0xFA0, $0x38;
	[tilespmem:$0x19880] =	vst v63  }
0x18: {  	_ = 	snop  }
0x19: {  	[tilespmem:s12], [sflag:$0x1] =	stream.linear.gather [hbm4b:s5+s3], $0xFA0, $0x38;
	[tilespmem:$0x19880] =	vst v63  }
0x1a: {  	_ = 	snop  }
0x1b: {  	[tilespmem:s13], [sflag:$0x2] =	stream.linear.gather [hbm4b:s6+s3], $0xFA0, $0x38;
	[tilespmem:$0x19880] =	vst v63  }
0x1c: {  	_ = 	snop  }
0x1d: {  	[tilespmem:s14], [sflag:$0x2] =	stream.linear.gather [hbm4b:s7+s3], $0xFA0, $0x38;
	[tilespmem:$0x19880] =	vst v63  }
0x1e: {  	s21 =	simm.s32 $0x6040  }
0x1f: {  	[tilespmem:s15], [sflag:$0x2] =	stream.linear.gather [hbm4b:s8+s3], $0xFA0, $0x38;
	[tilespmem:$0x19880] =	vst v63  }
0x20: {  	[tilespmem:s21+$0xFFFFFFC0] =	vst v1  }
0x21: {  	[tilespmem:s21+$0x30] =	vst v1  }
0x22: {  	[tilespmem:s21+$0x20] =	vst v1  }
0x23: {  	[tilespmem:s21+$0x10] =	vst v1  }
0x24: {  	[tilespmem:s21+$0x0] =	vst v1  }
0x25: {  	[tilespmem:s21+$0xFFFFFFF0] =	vst v1  }
0x26: {  	s22 =	simm.s32 $0x0;
	[tilespmem:s21+$0xFFFFFFE0] =	vst v1  }
.LBB2_2:
0x27: {  	s22 =	sadd.s32 $0x80, s22;
	[tilespmem:s21+$0xFFFFFFD0] =	vst v1;
	s21 =	sadd.s32 $0x80, s21  }
0x28: {  	[tilespmem:s21+$0xFFFFFFC0] =	vst v1;
	p0 =	slt.u32 s22, $0x13800  }
0x29: {  	[tilespmem:s21+$0x30] =	vst v1  }
.Ltmp2:
0x2a: {  	[tilespmem:s21+$0x20] =	vst v1;
	(pc) =	sbr.rel @p0 .LBB2_2-.Ltmp2, $4  }
0x2b: {  	[tilespmem:s21+$0x10] =	vst v1  }
0x2c: {  	[tilespmem:s21+$0x0] =	vst v1  }
0x2d: {  	[tilespmem:s21+$0xFFFFFFF0] =	vst v1  }
0x2e: {  	[tilespmem:s21+$0xFFFFFFE0] =	vst v1  }
0x2f: {  	[tilespmem:s21+$0xFFFFFFD0] =	vst v1;
	s21 =	simm.s32 $0x0  }
.LBB2_4:
0x30: {  	_ =	swait.ge [sflag:s16], $0xFA0  }
0x31: {  	[sflag:s16] =	ssyncset.done $0x0  }
0x32: {  	[sflag:s16] =	ssyncadd.s32 $0xFFFFF060  }
0x33: {  	_ =	swait.ge [sflag:s16], $0xFA0  }
0x34: {  	[sflag:s16] =	ssyncset.done $0x0  }
0x35: {  	[sflag:s16] =	ssyncadd.s32 $0xFFFFF060  }
0x36: {  	_ =	swait.ge [sflag:s16], $0xFA0  }
0x37: {  	[sflag:s16] =	ssyncset.done $0x0  }
0x38: {  	s24 =	simm.s32 $0x2080;
	[sflag:s16] =	ssyncadd.s32 $0xFFFFF060  }
0x39: {  	v2 =	vld [tilespmem:s24+$0x70]  }
0x3a: {  	v3 =	vld [tilespmem:s24+$0xFFFFFF80]  }
0x3b: {  	s22 =	simm.s32 $0x80;
	v4 =	vld [tilespmem:s24+$0xFFFFFF90]  }
0x3c: {  	v5 =	vld [tilespmem:s22+$0x70]  }
0x3d: {  	v6 =	vld [tilespmem:s24+$0xFFFFFFA0]  }
0x3e: {  	v7 =	vld [tilespmem:s24+$0xFFFFFFB0]  }
0x3f: {  	v8 =	vld [tilespmem:s24+$0xFFFFFFC0]  }
0x40: {  	v10 =	vld [tilespmem:s24+$0xFFFFFFD0]  }
0x41: {  	v35 =	vld [tilespmem:s24+$0xFFFFFFE0]  }
0x42: {  	v11 =	vld [tilespmem:s24+$0xFFFFFFF0]  }
0x43: {  	v12 =	vld [tilespmem:s24+$0x0]  }
0x44: {  	v13 =	vld [tilespmem:s24+$0x10]  }
0x45: {  	v36 =	vld [tilespmem:s24+$0x30]  }
0x46: {  	v14 =	vld [tilespmem:s24+$0x40]  }
0x47: {  	v15 =	vld [tilespmem:s24+$0x50]  }
0x48: {  	v16 =	vld [tilespmem:s24+$0x60]  }
0x49: {  	v17 =	vld [tilespmem:s22+$0xFFFFFF90]  }
0x4a: {  	v18 =	vld [tilespmem:s22+$0xFFFFFFA0]  }
0x4b: {  	v19 =	vld [tilespmem:s22+$0xFFFFFFB0]  }
0x4c: {  	v20 =	vld [tilespmem:s22+$0xFFFFFFC0]  }
0x4d: {  	v21 =	vld [tilespmem:s22+$0xFFFFFFD0]  }
0x4e: {  	v22 =	vld [tilespmem:s22+$0xFFFFFFE0]  }
0x4f: {  	v23 =	vld [tilespmem:s22+$0xFFFFFF80]  }
0x50: {  	v24 =	vld [tilespmem:s22+$0xFFFFFFF0]  }
0x51: {  	v25 =	vld [tilespmem:s22+$0x0]  }
0x52: {  	s23 =	simm.s32 $0x4080;
	v27 =	vld [tilespmem:s22+$0x10]  }
0x53: {  	v28 =	vld [tilespmem:s23+$0xFFFFFF80]  }
0x54: {  	v37 =	vld [tilespmem:s22+$0x30]  }
0x55: {  	v29 =	vld [tilespmem:s22+$0x40]  }
0x56: {  	v31 =	vld [tilespmem:s22+$0x50]  }
0x57: {  	v38 =	vld [tilespmem:s23+$0xFFFFFF90]  }
0x58: {  	v40 =	vld [tilespmem:s22+$0x60]  }
0x59: {  	v41 =	vld [tilespmem:s23+$0xFFFFFFA0]  }
0x5a: {  	v42 =	vld [tilespmem:s23+$0xFFFFFFB0]  }
0x5b: {  	v43 =	vld [tilespmem:s23+$0xFFFFFFC0]  }
0x5c: {  	v45 =	vld [tilespmem:s23+$0xFFFFFFD0]  }
0x5d: {  	v46 =	vld [tilespmem:s23+$0xFFFFFFE0];
	v2 =	vsub.s32 v2, v0;
	v3 =	vsub.s32 v3, v0  }
0x5e: {  	v49 =	vld [tilespmem:s23+$0xFFFFFFF0];
	v4 =	vsub.s32 v4, v0;
	v6 =	vsub.s32 v6, v0;
	v44 =	vsub.s32 v7, v0  }
0x5f: {  	v50 =	vld [tilespmem:s23+$0x0];
	v8 =	vsub.s32 v8, v0;
	v10 =	vsub.s32 v10, v0;
	v48 =	vsub.s32 v35, v0  }
0x60: {  	v51 =	vld [tilespmem:s23+$0x10];
	v11 =	vsub.s32 v11, v0;
	v12 =	vsub.s32 v12, v0;
	v13 =	vsub.s32 v13, v0  }
0x61: {  	v52 =	vld [tilespmem:s23+$0x20];
	v14 =	vsub.s32 v14, v0;
	v61 =	vsub.s32 v16, v0;
	v9 =	vmul.u32 $0x2710, v2  }
0x62: {  	v53 =	vld [tilespmem:s23+$0x30];
	vm0 =	vlt.u32 v2, $0x8;
	v26 =	vmul.u32 $0x2710, v3;
	vm13 =	vlt.u32 v3, $0x8  }
0x63: {  	v2 =	vld [tilespmem:s23+$0x70];
	v30 =	vmul.u32 $0x2710, v4;
	vm1 =	vlt.u32 v4, $0x8;
	v5 =	vadd.s32 v5, v9  }
0x64: {  	v54 =	vld [tilespmem:s23+$0x40];
	v39 =	vmul.u32 $0x2710, v6;
	vm2 =	vlt.u32 v6, $0x8;
	vm14 =	vlt.u32 v44, $0x8  }
0x65: {  	v55 =	vld [tilespmem:s23+$0x50];
	v4 =	vmul.u32 $0x2710, v44;
	vm15 =	vlt.u32 v8, $0x8;
	v23 =	vadd.s32 v23, v26  }
0x66: {  	v56 =	vld [tilespmem:s23+$0x60];
	v47 =	vmul.u32 $0x2710, v8;
	vm12 =	vlt.u32 v10, $0x8;
	v17 =	vadd.s32 v17, v30  }
0x67: {  	v3 =	vld [tilespmem:s22+$0x20];
	v10 =	vmul.u32 $0x2710, v10;
	vm3 =	vlt.u32 v48, $0x8;
	v18 =	vadd.s32 v18, v39  }
0x68: {  	v8 =	vmul.u32 $0x2710, v48;
	vm4 =	vlt.u32 v11, $0x8;
	v4 =	vadd.s32 v19, v4;
	[tilespmem:v5+s17+$0x0] =	vst.idx.add.f32.msk vm0, v2  }
0x69: {  	v11 =	vmul.u32 $0x2710, v11;
	vm5 =	vlt.u32 v12, $0x8;
	v6 =	vadd.s32 v20, v47;
	v2 =	vld [tilespmem:s24+$0x20]  }
0x6a: {  	v12 =	vmul.u32 $0x2710, v12;
	vm6 =	vlt.u32 v13, $0x8;
	v10 =	vadd.s32 v21, v10;
	[tilespmem:v23+s17+$0x0] =	vst.idx.add.f32.msk vm13, v28  }
0x6b: {  	v13 =	vmul.u32 $0x2710, v13;
	v59 =	vmul.u32 $0x2710, v14;
	v8 =	vadd.s32 v22, v8;
	[tilespmem:v17+s17+$0x0] =	vst.idx.add.f32.msk vm1, v38  }
0x6c: {  	v62 =	vmul.u32 $0x2710, v61;
	v11 =	vadd.s32 v24, v11;
	v12 =	vadd.s32 v25, v12;
	[tilespmem:v18+s17+$0x0] =	vst.idx.add.f32.msk vm2, v41  }
0x6d: {  	v58 =	vadd.s32 v27, v13;
	v5 =	vsub.s32 v36, v0;
	[tilespmem:v4+s17+$0x0] =	vst.idx.add.f32.msk vm14, v42;
	vm13 =	vlt.u32 v14, $0x8  }
0x6e: {  	[tilespmem:v6+s17+$0x0] =	vst.idx.add.f32.msk vm15, v43;
	v6 =	vadd.s32 v29, v59;
	vm15 =	vlt.u32 v61, $0x8;
	v2 =	vsub.s32 v2, v0  }
0x6f: {  	[tilespmem:v10+s17+$0x0] =	vst.idx.add.f32.msk vm12, v45;
	v57 =	vmul.u32 $0x2710, v5;
	vm7 =	vlt.u32 v2, $0x8;
	v2 =	vmul.u32 $0x2710, v2  }
0x70: {  	v60 =	vsub.s32 v15, v0;
	v63 =	vadd.s32 v40, v62;
	[tilespmem:v8+s17+$0x0] =	vst.idx.add.f32.msk vm3, v46;
	vm8 =	vlt.u32 v5, $0x8  }
0x71: {  	[tilespmem:v11+s17+$0x0] =	vst.idx.add.f32.msk vm4, v49;
	v4 =	vadd.s32 v37, v57;
	v2 =	vadd.s32 v3, v2;
	v3 =	vmul.u32 $0x2710, v60  }
0x72: {  	vm14 =	vlt.u32 v60, $0x8;
	[tilespmem:v12+s17+$0x0] =	vst.idx.add.f32.msk vm5, v50  }
0x73: {  	[tilespmem:v58+s17+$0x0] =	vst.idx.add.f32.msk vm6, v51;
	v3 =	vadd.s32 v31, v3  }
0x74: {  	[tilespmem:v6+s17+$0x0] =	vst.idx.add.f32.msk vm13, v54  }
0x75: {  	[tilespmem:v63+s17+$0x0] =	vst.idx.add.f32.msk vm15, v56  }
0x76: {  	[tilespmem:v4+s17+$0x0] =	vst.idx.add.f32.msk vm8, v53  }
0x77: {  	s29 =	simm.s32 $0x0;
	s25 =	simm.s32 $0xEF0;
	s26 =	simm.s32 $0x4F00;
	[tilespmem:v2+s17+$0x0] =	vst.idx.add.f32.msk vm7, v52  }
0x78: {  	s28 =	simm.s32 $0x2F00;
	s30 =	simm.s32 $0x2180;
	s24 =	simm.s32 $0xF00;
	[tilespmem:v3+s17+$0x0] =	vst.idx.add.f32.msk vm14, v55  }
.LBB2_5:
0x79: {  	v2 =	vld [tilespmem:s30+$0x70];
	s29 =	sadd.s32 $0x100, s29  }
0x7a: {  	v3 =	vld [tilespmem:s30+$0xFFFFFF80];
	p0 =	slt.u32 s29, $0xE00  }
0x7b: {  	s22 =	sadd.s32 $0x100, s22;
	v4 =	vld [tilespmem:s30+$0xFFFFFF90]  }
0x7c: {  	v5 =	vld [tilespmem:s22+$0x70]  }
0x7d: {  	v6 =	vld [tilespmem:s30+$0xFFFFFFA0]  }
0x7e: {  	v7 =	vld [tilespmem:s30+$0xFFFFFFB0];
	v2 =	vsub.s32 v2, v0  }
0x7f: {  	v3 =	vsub.s32 v3, v0;
	v8 =	vld [tilespmem:s30+$0xFFFFFFC0];
	v9 =	vmul.u32 $0x2710, v2  }
0x80: {  	s23 =	sadd.s32 $0x100, s23;
	vm6 =	vlt.u32 v2, $0x8;
	v10 =	vmul.u32 $0x2710, v3;
	v4 =	vsub.s32 v4, v0;
	v11 =	vld [tilespmem:s30+$0xFFFFFFD0]  }
0x81: {  	vm0 =	vlt.u32 v3, $0x8;
	v2 =	vmul.u32 $0x2710, v4;
	v3 =	vld [tilespmem:s23+$0x70];
	v5 =	vadd.s32 v5, v9  }
0x82: {  	vm1 =	vlt.u32 v4, $0x8;
	v4 =	vsub.s32 v6, v0;
	v6 =	vld [tilespmem:s30+$0xFFFFFFE0]  }
0x83: {  	vm2 =	vlt.u32 v4, $0x8;
	v4 =	vmul.u32 $0x2710, v4;
	v7 =	vsub.s32 v7, v0;
	v9 =	vld [tilespmem:s30+$0xFFFFFFF0]  }
0x84: {  	vm3 =	vlt.u32 v7, $0x8;
	v7 =	vmul.u32 $0x2710, v7;
	v8 =	vsub.s32 v8, v0;
	v12 =	vld [tilespmem:s30+$0x0]  }
0x85: {  	vm4 =	vlt.u32 v8, $0x8;
	v8 =	vmul.u32 $0x2710, v8;
	v11 =	vsub.s32 v11, v0;
	v13 =	vld [tilespmem:s30+$0x10]  }
0x86: {  	vm5 =	vlt.u32 v11, $0x8;
	v11 =	vmul.u32 $0x2710, v11;
	[tilespmem:v5+s17+$0x0] =	vst.idx.add.f32.msk vm6, v3  }
0x87: {  	v3 =	vsub.s32 v6, v0;
	v5 =	vld [tilespmem:s30+$0x20]  }
0x88: {  	vm6 =	vlt.u32 v3, $0x8;
	v3 =	vmul.u32 $0x2710, v3;
	v6 =	vsub.s32 v9, v0;
	v9 =	vld [tilespmem:s30+$0x30]  }
0x89: {  	vm7 =	vlt.u32 v6, $0x8;
	v6 =	vmul.u32 $0x2710, v6;
	v12 =	vsub.s32 v12, v0;
	v14 =	vld [tilespmem:s30+$0x40]  }
0x8a: {  	vm8 =	vlt.u32 v12, $0x8;
	v12 =	vmul.u32 $0x2710, v12;
	v13 =	vsub.s32 v13, v0;
	v15 =	vld [tilespmem:s30+$0x50]  }
0x8b: {  	vm9 =	vlt.u32 v13, $0x8;
	v13 =	vmul.u32 $0x2710, v13;
	v16 =	vld [tilespmem:s30+$0x60]  }
0x8c: {  	v17 =	vld [tilespmem:s22+$0xFFFFFF90];
	v5 =	vsub.s32 v5, v0  }
0x8d: {  	v18 =	vld [tilespmem:s22+$0xFFFFFFA0];
	vm10 =	vlt.u32 v5, $0x8;
	v5 =	vmul.u32 $0x2710, v5;
	v9 =	vsub.s32 v9, v0  }
0x8e: {  	v19 =	vld [tilespmem:s22+$0xFFFFFFB0];
	vm11 =	vlt.u32 v9, $0x8;
	v9 =	vmul.u32 $0x2710, v9;
	v14 =	vsub.s32 v14, v0  }
0x8f: {  	v20 =	vld [tilespmem:s22+$0xFFFFFFC0];
	vm12 =	vlt.u32 v14, $0x8;
	v14 =	vmul.u32 $0x2710, v14;
	v15 =	vsub.s32 v15, v0  }
0x90: {  	v21 =	vld [tilespmem:s22+$0xFFFFFFD0];
	vm13 =	vlt.u32 v15, $0x8;
	v15 =	vmul.u32 $0x2710, v15;
	v16 =	vsub.s32 v16, v0  }
0x91: {  	v2 =	vadd.s32 v17, v2;
	v17 =	vld [tilespmem:s22+$0xFFFFFFE0];
	vm14 =	vlt.u32 v16, $0x8;
	v16 =	vmul.u32 $0x2710, v16  }
0x92: {  	v4 =	vadd.s32 v18, v4;
	v18 =	vld [tilespmem:s22+$0xFFFFFFF0]  }
0x93: {  	v7 =	vadd.s32 v19, v7;
	v19 =	vld [tilespmem:s22+$0x0]  }
0x94: {  	v8 =	vadd.s32 v20, v8;
	v20 =	vld [tilespmem:s22+$0x10]  }
0x95: {  	v11 =	vadd.s32 v21, v11;
	v21 =	vld [tilespmem:s22+$0x20]  }
0x96: {  	v3 =	vadd.s32 v17, v3;
	v17 =	vld [tilespmem:s22+$0x30]  }
0x97: {  	v6 =	vadd.s32 v18, v6;
	v18 =	vld [tilespmem:s22+$0x40]  }
0x98: {  	v12 =	vadd.s32 v19, v12;
	v19 =	vld [tilespmem:s22+$0x50]  }
0x99: {  	v13 =	vadd.s32 v20, v13;
	v20 =	vld [tilespmem:s22+$0x60]  }
0x9a: {  	v22 =	vld [tilespmem:s22+$0xFFFFFF80];
	v5 =	vadd.s32 v21, v5  }
0x9b: {  	v21 =	vld [tilespmem:s23+$0xFFFFFF80];
	v9 =	vadd.s32 v17, v9  }
0x9c: {  	v17 =	vld [tilespmem:s23+$0xFFFFFF90];
	v14 =	vadd.s32 v18, v14  }
0x9d: {  	v18 =	vld [tilespmem:s23+$0xFFFFFFA0];
	v15 =	vadd.s32 v19, v15  }
0x9e: {  	v19 =	vld [tilespmem:s23+$0xFFFFFFB0];
	v16 =	vadd.s32 v20, v16  }
0x9f: {  	v10 =	vadd.s32 v22, v10;
	v20 =	vld [tilespmem:s23+$0xFFFFFFC0]  }
0xa0: {  	v22 =	vld [tilespmem:s23+$0xFFFFFFD0]  }
0xa1: {  	v23 =	vld [tilespmem:s23+$0xFFFFFFE0]  }
0xa2: {  	v24 =	vld [tilespmem:s23+$0xFFFFFFF0]  }
0xa3: {  	v25 =	vld [tilespmem:s23+$0x0]  }
0xa4: {  	v26 =	vld [tilespmem:s23+$0x10]  }
0xa5: {  	v27 =	vld [tilespmem:s23+$0x20]  }
0xa6: {  	v28 =	vld [tilespmem:s23+$0x30]  }
0xa7: {  	v29 =	vld [tilespmem:s23+$0x40]  }
0xa8: {  	v30 =	vld [tilespmem:s23+$0x50]  }
0xa9: {  	v31 =	vld [tilespmem:s23+$0x60]  }
0xaa: {  	[tilespmem:v10+s17+$0x0] =	vst.idx.add.f32.msk vm0, v21  }
0xab: {  	[tilespmem:v2+s17+$0x0] =	vst.idx.add.f32.msk vm1, v17  }
0xac: {  	[tilespmem:v4+s17+$0x0] =	vst.idx.add.f32.msk vm2, v18  }
0xad: {  	[tilespmem:v7+s17+$0x0] =	vst.idx.add.f32.msk vm3, v19  }
0xae: {  	[tilespmem:v8+s17+$0x0] =	vst.idx.add.f32.msk vm4, v20  }
0xaf: {  	[tilespmem:v11+s17+$0x0] =	vst.idx.add.f32.msk vm5, v22  }
0xb0: {  	[tilespmem:v3+s17+$0x0] =	vst.idx.add.f32.msk vm6, v23  }
0xb1: {  	[tilespmem:v6+s17+$0x0] =	vst.idx.add.f32.msk vm7, v24  }
0xb2: {  	[tilespmem:v12+s17+$0x0] =	vst.idx.add.f32.msk vm8, v25  }
0xb3: {  	[tilespmem:v13+s17+$0x0] =	vst.idx.add.f32.msk vm9, v26  }
.Ltmp3:
0xb4: {  	[tilespmem:v5+s17+$0x0] =	vst.idx.add.f32.msk vm10, v27;
	(pc) =	sbr.rel @p0 .LBB2_5-.Ltmp3, $4  }
0xb5: {  	[tilespmem:v9+s17+$0x0] =	vst.idx.add.f32.msk vm11, v28  }
0xb6: {  	[tilespmem:v14+s17+$0x0] =	vst.idx.add.f32.msk vm12, v29  }
0xb7: {  	[tilespmem:v15+s17+$0x0] =	vst.idx.add.f32.msk vm13, v30  }
0xb8: {  	s30 =	sadd.s32 $0x100, s30;
	[tilespmem:v16+s17+$0x0] =	vst.idx.add.f32.msk vm14, v31  }
.LBB2_6:
0xb9: {  	v2 =	vld [tilespmem:s28+$0x0];
	_ =	sdelay $0x2  }
0xba: {  	v3 =	vld [tilespmem:s24+$0x0];
	_ =	sdelay $0x1  }
0xbb: {  	v2 =	vsub.s32 v2, v0  }
0xbc: {  	v4 =	vmul.u32 $0x2710, v2  }
0xbd: {  	s25 =	sadd.s32 $0x10, s25;
	vm0 =	vlt.u32 v2, $0x8  }
0xbe: {  	p0 =	slt.u32 s25, $0xF90;
	v2 =	vld [tilespmem:s26+$0x0];
	v3 =	vadd.s32 v3, v4  }
.Ltmp4:
0xbf: {  	_ = 	snop;
	(pc) =	sbr.rel @p0 .LBB2_6-.Ltmp4, $2  }
0xc0: {  	_ =	sdelay $0x2  }
0xc1: {  	s28 =	sadd.s32 $0x10, s28;
	s24 =	sadd.s32 $0x10, s24;
	s26 =	sadd.s32 $0x10, s26;
	[tilespmem:v3+s17+$0x0] =	vst.idx.add.f32.msk vm0, v2  }
0xc2: {  	p0 =	seq.s32 s21, $0x1F  }
0xc3: {  	s22 =	smul.u32 @!p0 $0x1F40, s21;
	_ =	sdelay $0x1  }
0xc4: {  	s22 =	sshrl.u32 @!p0 s22, $0x3  }
0xc5: {  	s22 =	sadd.s32 @!p0 $0x3E8, s22  }
0xc6: {  	s24 =	simm.s32 @!p0 $0x0;
	s23 =	sadd.s32 @!p0 s4, s22  }
0xc7: {  	[tilespmem:s24], [sflag:$0x1] =	stream.linear.gather @!p0 [hbm4b:s23+s24], $0xFA0, $0x38;
	[tilespmem:$0x19880] =	vst v63  }
0xc8: {  	s25 =	simm.s32 @!p0 $0x2000;
	s23 =	sadd.s32 @!p0 s2, s22  }
0xc9: {  	[tilespmem:s25], [sflag:$0x1] =	stream.linear.gather @!p0 [hbm4b:s23+s24], $0xFA0, $0x38;
	[tilespmem:$0x19880] =	vst v63  }
0xca: {  	s22 =	sadd.s32 @!p0 s5, s22;
	s23 =	simm.s32 @!p0 $0x4000  }
0xcb: {  	[tilespmem:s23], [sflag:$0x1] =	stream.linear.gather @!p0 [hbm4b:s22+s24], $0xFA0, $0x38;
	[tilespmem:$0x19880] =	vst v63  }
0xcc: {  	_ =	swait.ge [sflag:s18], $0xFA0  }
0xcd: {  	[sflag:s18] =	ssyncset.done $0x0  }
0xce: {  	[sflag:s18] =	ssyncadd.s32 $0xFFFFF060  }
0xcf: {  	_ =	swait.ge [sflag:s18], $0xFA0  }
0xd0: {  	[sflag:s18] =	ssyncset.done $0x0  }
0xd1: {  	[sflag:s18] =	ssyncadd.s32 $0xFFFFF060  }
0xd2: {  	_ =	swait.ge [sflag:s18], $0xFA0  }
0xd3: {  	[sflag:s18] =	ssyncset.done $0x0  }
0xd4: {  	s31 =	simm.s32 $0x3080;
	[sflag:s18] =	ssyncadd.s32 $0xFFFFF060  }
0xd5: {  	v2 =	vld [tilespmem:s31+$0x70]  }
0xd6: {  	v3 =	vld [tilespmem:s31+$0xFFFFFF80]  }
0xd7: {  	s22 =	simm.s32 $0x1080;
	v4 =	vld [tilespmem:s31+$0xFFFFFF90]  }
0xd8: {  	v5 =	vld [tilespmem:s22+$0x70]  }
0xd9: {  	v6 =	vld [tilespmem:s31+$0xFFFFFFA0]  }
0xda: {  	v7 =	vld [tilespmem:s31+$0xFFFFFFB0]  }
0xdb: {  	v8 =	vld [tilespmem:s31+$0xFFFFFFC0]  }
0xdc: {  	v10 =	vld [tilespmem:s31+$0xFFFFFFD0]  }
0xdd: {  	v35 =	vld [tilespmem:s31+$0xFFFFFFE0]  }
0xde: {  	v11 =	vld [tilespmem:s31+$0xFFFFFFF0]  }
0xdf: {  	v12 =	vld [tilespmem:s31+$0x0]  }
0xe0: {  	v13 =	vld [tilespmem:s31+$0x10]  }
0xe1: {  	v36 =	vld [tilespmem:s31+$0x30]  }
0xe2: {  	v14 =	vld [tilespmem:s31+$0x40]  }
0xe3: {  	v15 =	vld [tilespmem:s31+$0x50]  }
0xe4: {  	v16 =	vld [tilespmem:s31+$0x60]  }
0xe5: {  	v17 =	vld [tilespmem:s22+$0xFFFFFF90]  }
0xe6: {  	v18 =	vld [tilespmem:s22+$0xFFFFFFA0]  }
0xe7: {  	v19 =	vld [tilespmem:s22+$0xFFFFFFB0]  }
0xe8: {  	v20 =	vld [tilespmem:s22+$0xFFFFFFC0]  }
0xe9: {  	v21 =	vld [tilespmem:s22+$0xFFFFFFD0]  }
0xea: {  	v22 =	vld [tilespmem:s22+$0xFFFFFFE0]  }
0xeb: {  	v23 =	vld [tilespmem:s22+$0xFFFFFF80]  }
0xec: {  	v24 =	vld [tilespmem:s22+$0xFFFFFFF0]  }
0xed: {  	v25 =	vld [tilespmem:s22+$0x0]  }
0xee: {  	s23 =	simm.s32 $0x5080;
	v27 =	vld [tilespmem:s22+$0x10]  }
0xef: {  	v28 =	vld [tilespmem:s23+$0xFFFFFF80]  }
0xf0: {  	v37 =	vld [tilespmem:s22+$0x30]  }
0xf1: {  	v29 =	vld [tilespmem:s22+$0x40]  }
0xf2: {  	v31 =	vld [tilespmem:s22+$0x50]  }
0xf3: {  	v38 =	vld [tilespmem:s23+$0xFFFFFF90]  }
0xf4: {  	v40 =	vld [tilespmem:s22+$0x60]  }
0xf5: {  	v41 =	vld [tilespmem:s23+$0xFFFFFFA0]  }
0xf6: {  	v42 =	vld [tilespmem:s23+$0xFFFFFFB0]  }
0xf7: {  	v43 =	vld [tilespmem:s23+$0xFFFFFFC0]  }
0xf8: {  	v45 =	vld [tilespmem:s23+$0xFFFFFFD0]  }
0xf9: {  	v46 =	vld [tilespmem:s23+$0xFFFFFFE0];
	v2 =	vsub.s32 v2, v0;
	v3 =	vsub.s32 v3, v0  }
0xfa: {  	v49 =	vld [tilespmem:s23+$0xFFFFFFF0];
	v4 =	vsub.s32 v4, v0;
	v6 =	vsub.s32 v6, v0;
	v44 =	vsub.s32 v7, v0  }
0xfb: {  	v50 =	vld [tilespmem:s23+$0x0];
	v8 =	vsub.s32 v8, v0;
	v10 =	vsub.s32 v10, v0;
	v48 =	vsub.s32 v35, v0  }
0xfc: {  	v51 =	vld [tilespmem:s23+$0x10];
	v11 =	vsub.s32 v11, v0;
	v12 =	vsub.s32 v12, v0;
	v13 =	vsub.s32 v13, v0  }
0xfd: {  	v52 =	vld [tilespmem:s23+$0x20];
	v14 =	vsub.s32 v14, v0;
	v61 =	vsub.s32 v16, v0;
	v9 =	vmul.u32 $0x2710, v2  }
0xfe: {  	v53 =	vld [tilespmem:s23+$0x30];
	vm0 =	vlt.u32 v2, $0x8;
	v26 =	vmul.u32 $0x2710, v3;
	vm13 =	vlt.u32 v3, $0x8  }
0xff: {  	v2 =	vld [tilespmem:s23+$0x70];
	v30 =	vmul.u32 $0x2710, v4;
	vm1 =	vlt.u32 v4, $0x8;
	v5 =	vadd.s32 v5, v9  }
0x100: {  	v54 =	vld [tilespmem:s23+$0x40];
	v39 =	vmul.u32 $0x2710, v6;
	vm2 =	vlt.u32 v6, $0x8;
	vm14 =	vlt.u32 v44, $0x8  }
0x101: {  	v55 =	vld [tilespmem:s23+$0x50];
	v4 =	vmul.u32 $0x2710, v44;
	vm15 =	vlt.u32 v8, $0x8;
	v23 =	vadd.s32 v23, v26  }
0x102: {  	v56 =	vld [tilespmem:s23+$0x60];
	v47 =	vmul.u32 $0x2710, v8;
	vm12 =	vlt.u32 v10, $0x8;
	v17 =	vadd.s32 v17, v30  }
0x103: {  	v3 =	vld [tilespmem:s22+$0x20];
	v10 =	vmul.u32 $0x2710, v10;
	vm3 =	vlt.u32 v48, $0x8;
	v18 =	vadd.s32 v18, v39  }
0x104: {  	v8 =	vmul.u32 $0x2710, v48;
	vm4 =	vlt.u32 v11, $0x8;
	v4 =	vadd.s32 v19, v4;
	[tilespmem:v5+s17+$0x0] =	vst.idx.add.f32.msk vm0, v2  }
0x105: {  	v11 =	vmul.u32 $0x2710, v11;
	vm5 =	vlt.u32 v12, $0x8;
	v6 =	vadd.s32 v20, v47;
	v2 =	vld [tilespmem:s31+$0x20]  }
0x106: {  	v12 =	vmul.u32 $0x2710, v12;
	vm6 =	vlt.u32 v13, $0x8;
	v10 =	vadd.s32 v21, v10;
	[tilespmem:v23+s17+$0x0] =	vst.idx.add.f32.msk vm13, v28  }
0x107: {  	v13 =	vmul.u32 $0x2710, v13;
	v59 =	vmul.u32 $0x2710, v14;
	v8 =	vadd.s32 v22, v8;
	[tilespmem:v17+s17+$0x0] =	vst.idx.add.f32.msk vm1, v38  }
0x108: {  	v62 =	vmul.u32 $0x2710, v61;
	v11 =	vadd.s32 v24, v11;
	v12 =	vadd.s32 v25, v12;
	[tilespmem:v18+s17+$0x0] =	vst.idx.add.f32.msk vm2, v41  }
0x109: {  	v58 =	vadd.s32 v27, v13;
	v5 =	vsub.s32 v36, v0;
	[tilespmem:v4+s17+$0x0] =	vst.idx.add.f32.msk vm14, v42;
	vm13 =	vlt.u32 v14, $0x8  }
0x10a: {  	[tilespmem:v6+s17+$0x0] =	vst.idx.add.f32.msk vm15, v43;
	v6 =	vadd.s32 v29, v59;
	vm15 =	vlt.u32 v61, $0x8;
	v2 =	vsub.s32 v2, v0  }
0x10b: {  	[tilespmem:v10+s17+$0x0] =	vst.idx.add.f32.msk vm12, v45;
	v57 =	vmul.u32 $0x2710, v5;
	vm7 =	vlt.u32 v2, $0x8;
	v2 =	vmul.u32 $0x2710, v2  }
0x10c: {  	v60 =	vsub.s32 v15, v0;
	v63 =	vadd.s32 v40, v62;
	[tilespmem:v8+s17+$0x0] =	vst.idx.add.f32.msk vm3, v46;
	vm8 =	vlt.u32 v5, $0x8  }
0x10d: {  	[tilespmem:v11+s17+$0x0] =	vst.idx.add.f32.msk vm4, v49;
	v4 =	vadd.s32 v37, v57;
	v2 =	vadd.s32 v3, v2;
	v3 =	vmul.u32 $0x2710, v60  }
0x10e: {  	vm14 =	vlt.u32 v60, $0x8;
	[tilespmem:v12+s17+$0x0] =	vst.idx.add.f32.msk vm5, v50  }
0x10f: {  	[tilespmem:v58+s17+$0x0] =	vst.idx.add.f32.msk vm6, v51;
	v3 =	vadd.s32 v31, v3  }
0x110: {  	[tilespmem:v6+s17+$0x0] =	vst.idx.add.f32.msk vm13, v54  }
0x111: {  	[tilespmem:v63+s17+$0x0] =	vst.idx.add.f32.msk vm15, v56  }
0x112: {  	[tilespmem:v4+s17+$0x0] =	vst.idx.add.f32.msk vm8, v53  }
0x113: {  	s28 =	simm.s32 $0x0;
	s26 =	simm.s32 $0x3F00;
	[tilespmem:v2+s17+$0x0] =	vst.idx.add.f32.msk vm7, v52  }
0x114: {  	s29 =	simm.s32 $0x3180;
	s25 =	simm.s32 $0x5F00;
	s24 =	simm.s32 $0x1F00;
	[tilespmem:v3+s17+$0x0] =	vst.idx.add.f32.msk vm14, v55  }
.LBB2_8:
0x115: {  	v2 =	vld [tilespmem:s29+$0x70];
	s28 =	sadd.s32 $0x100, s28  }
0x116: {  	v3 =	vld [tilespmem:s29+$0xFFFFFF80];
	p1 =	slt.u32 s28, $0xE00  }
0x117: {  	s22 =	sadd.s32 $0x100, s22;
	v4 =	vld [tilespmem:s29+$0xFFFFFF90]  }
0x118: {  	v5 =	vld [tilespmem:s22+$0x70]  }
0x119: {  	v6 =	vld [tilespmem:s29+$0xFFFFFFA0]  }
0x11a: {  	v7 =	vld [tilespmem:s29+$0xFFFFFFB0];
	v2 =	vsub.s32 v2, v0  }
0x11b: {  	v3 =	vsub.s32 v3, v0;
	v8 =	vld [tilespmem:s29+$0xFFFFFFC0];
	v9 =	vmul.u32 $0x2710, v2  }
0x11c: {  	s23 =	sadd.s32 $0x100, s23;
	vm6 =	vlt.u32 v2, $0x8;
	v10 =	vmul.u32 $0x2710, v3;
	v4 =	vsub.s32 v4, v0;
	v11 =	vld [tilespmem:s29+$0xFFFFFFD0]  }
0x11d: {  	vm0 =	vlt.u32 v3, $0x8;
	v2 =	vmul.u32 $0x2710, v4;
	v3 =	vld [tilespmem:s23+$0x70];
	v5 =	vadd.s32 v5, v9  }
0x11e: {  	vm1 =	vlt.u32 v4, $0x8;
	v4 =	vsub.s32 v6, v0;
	v6 =	vld [tilespmem:s29+$0xFFFFFFE0]  }
0x11f: {  	vm2 =	vlt.u32 v4, $0x8;
	v4 =	vmul.u32 $0x2710, v4;
	v7 =	vsub.s32 v7, v0;
	v9 =	vld [tilespmem:s29+$0xFFFFFFF0]  }
0x120: {  	vm3 =	vlt.u32 v7, $0x8;
	v7 =	vmul.u32 $0x2710, v7;
	v8 =	vsub.s32 v8, v0;
	v12 =	vld [tilespmem:s29+$0x0]  }
0x121: {  	vm4 =	vlt.u32 v8, $0x8;
	v8 =	vmul.u32 $0x2710, v8;
	v11 =	vsub.s32 v11, v0;
	v13 =	vld [tilespmem:s29+$0x10]  }
0x122: {  	s30 =	simm.s32 $0xEF0;
	vm5 =	vlt.u32 v11, $0x8;
	v11 =	vmul.u32 $0x2710, v11;
	[tilespmem:v5+s17+$0x0] =	vst.idx.add.f32.msk vm6, v3  }
0x123: {  	v3 =	vsub.s32 v6, v0;
	v5 =	vld [tilespmem:s29+$0x20]  }
0x124: {  	vm6 =	vlt.u32 v3, $0x8;
	v3 =	vmul.u32 $0x2710, v3;
	v6 =	vsub.s32 v9, v0;
	v9 =	vld [tilespmem:s29+$0x30]  }
0x125: {  	vm7 =	vlt.u32 v6, $0x8;
	v6 =	vmul.u32 $0x2710, v6;
	v12 =	vsub.s32 v12, v0;
	v14 =	vld [tilespmem:s29+$0x40]  }
0x126: {  	vm8 =	vlt.u32 v12, $0x8;
	v12 =	vmul.u32 $0x2710, v12;
	v13 =	vsub.s32 v13, v0;
	v15 =	vld [tilespmem:s29+$0x50]  }
0x127: {  	vm9 =	vlt.u32 v13, $0x8;
	v13 =	vmul.u32 $0x2710, v13;
	v16 =	vld [tilespmem:s29+$0x60]  }
0x128: {  	v17 =	vld [tilespmem:s22+$0xFFFFFF90];
	v5 =	vsub.s32 v5, v0  }
0x129: {  	v18 =	vld [tilespmem:s22+$0xFFFFFFA0];
	vm10 =	vlt.u32 v5, $0x8;
	v5 =	vmul.u32 $0x2710, v5;
	v9 =	vsub.s32 v9, v0  }
0x12a: {  	v19 =	vld [tilespmem:s22+$0xFFFFFFB0];
	vm11 =	vlt.u32 v9, $0x8;
	v9 =	vmul.u32 $0x2710, v9;
	v14 =	vsub.s32 v14, v0  }
0x12b: {  	v20 =	vld [tilespmem:s22+$0xFFFFFFC0];
	vm12 =	vlt.u32 v14, $0x8;
	v14 =	vmul.u32 $0x2710, v14;
	v15 =	vsub.s32 v15, v0  }
0x12c: {  	v21 =	vld [tilespmem:s22+$0xFFFFFFD0];
	vm13 =	vlt.u32 v15, $0x8;
	v15 =	vmul.u32 $0x2710, v15;
	v16 =	vsub.s32 v16, v0  }
0x12d: {  	v2 =	vadd.s32 v17, v2;
	v17 =	vld [tilespmem:s22+$0xFFFFFFE0];
	vm14 =	vlt.u32 v16, $0x8;
	v16 =	vmul.u32 $0x2710, v16  }
0x12e: {  	v4 =	vadd.s32 v18, v4;
	v18 =	vld [tilespmem:s22+$0xFFFFFFF0]  }
0x12f: {  	v7 =	vadd.s32 v19, v7;
	v19 =	vld [tilespmem:s22+$0x0]  }
0x130: {  	v8 =	vadd.s32 v20, v8;
	v20 =	vld [tilespmem:s22+$0x10]  }
0x131: {  	v11 =	vadd.s32 v21, v11;
	v21 =	vld [tilespmem:s22+$0x20]  }
0x132: {  	v3 =	vadd.s32 v17, v3;
	v17 =	vld [tilespmem:s22+$0x30]  }
0x133: {  	v6 =	vadd.s32 v18, v6;
	v18 =	vld [tilespmem:s22+$0x40]  }
0x134: {  	v12 =	vadd.s32 v19, v12;
	v19 =	vld [tilespmem:s22+$0x50]  }
0x135: {  	v13 =	vadd.s32 v20, v13;
	v20 =	vld [tilespmem:s22+$0x60]  }
0x136: {  	v22 =	vld [tilespmem:s22+$0xFFFFFF80];
	v5 =	vadd.s32 v21, v5  }
0x137: {  	v21 =	vld [tilespmem:s23+$0xFFFFFF80];
	v9 =	vadd.s32 v17, v9  }
0x138: {  	v17 =	vld [tilespmem:s23+$0xFFFFFF90];
	v14 =	vadd.s32 v18, v14  }
0x139: {  	v18 =	vld [tilespmem:s23+$0xFFFFFFA0];
	v15 =	vadd.s32 v19, v15  }
0x13a: {  	v19 =	vld [tilespmem:s23+$0xFFFFFFB0];
	v16 =	vadd.s32 v20, v16  }
0x13b: {  	v10 =	vadd.s32 v22, v10;
	v20 =	vld [tilespmem:s23+$0xFFFFFFC0]  }
0x13c: {  	v22 =	vld [tilespmem:s23+$0xFFFFFFD0]  }
0x13d: {  	v23 =	vld [tilespmem:s23+$0xFFFFFFE0]  }
0x13e: {  	v24 =	vld [tilespmem:s23+$0xFFFFFFF0]  }
0x13f: {  	v25 =	vld [tilespmem:s23+$0x0]  }
0x140: {  	v26 =	vld [tilespmem:s23+$0x10]  }
0x141: {  	v27 =	vld [tilespmem:s23+$0x20]  }
0x142: {  	v28 =	vld [tilespmem:s23+$0x30]  }
0x143: {  	v29 =	vld [tilespmem:s23+$0x40]  }
0x144: {  	v30 =	vld [tilespmem:s23+$0x50]  }
0x145: {  	v31 =	vld [tilespmem:s23+$0x60]  }
0x146: {  	[tilespmem:v10+s17+$0x0] =	vst.idx.add.f32.msk vm0, v21  }
0x147: {  	[tilespmem:v2+s17+$0x0] =	vst.idx.add.f32.msk vm1, v17  }
0x148: {  	[tilespmem:v4+s17+$0x0] =	vst.idx.add.f32.msk vm2, v18  }
0x149: {  	[tilespmem:v7+s17+$0x0] =	vst.idx.add.f32.msk vm3, v19  }
0x14a: {  	[tilespmem:v8+s17+$0x0] =	vst.idx.add.f32.msk vm4, v20  }
0x14b: {  	[tilespmem:v11+s17+$0x0] =	vst.idx.add.f32.msk vm5, v22  }
0x14c: {  	[tilespmem:v3+s17+$0x0] =	vst.idx.add.f32.msk vm6, v23  }
0x14d: {  	[tilespmem:v6+s17+$0x0] =	vst.idx.add.f32.msk vm7, v24  }
0x14e: {  	[tilespmem:v12+s17+$0x0] =	vst.idx.add.f32.msk vm8, v25  }
0x14f: {  	[tilespmem:v13+s17+$0x0] =	vst.idx.add.f32.msk vm9, v26  }
.Ltmp5:
0x150: {  	[tilespmem:v5+s17+$0x0] =	vst.idx.add.f32.msk vm10, v27;
	(pc) =	sbr.rel @p1 .LBB2_8-.Ltmp5, $4  }
0x151: {  	[tilespmem:v9+s17+$0x0] =	vst.idx.add.f32.msk vm11, v28  }
0x152: {  	[tilespmem:v14+s17+$0x0] =	vst.idx.add.f32.msk vm12, v29  }
0x153: {  	[tilespmem:v15+s17+$0x0] =	vst.idx.add.f32.msk vm13, v30  }
0x154: {  	s29 =	sadd.s32 $0x100, s29;
	[tilespmem:v16+s17+$0x0] =	vst.idx.add.f32.msk vm14, v31  }
.LBB2_9:
0x155: {  	v2 =	vld [tilespmem:s26+$0x0];
	_ =	sdelay $0x2  }
0x156: {  	v3 =	vld [tilespmem:s24+$0x0];
	_ =	sdelay $0x1  }
0x157: {  	v2 =	vsub.s32 v2, v0  }
0x158: {  	v4 =	vmul.u32 $0x2710, v2  }
0x159: {  	s30 =	sadd.s32 $0x10, s30;
	vm0 =	vlt.u32 v2, $0x8  }
0x15a: {  	p1 =	slt.u32 s30, $0xF90;
	v2 =	vld [tilespmem:s25+$0x0];
	v3 =	vadd.s32 v3, v4  }
.Ltmp6:
0x15b: {  	_ = 	snop;
	(pc) =	sbr.rel @p1 .LBB2_9-.Ltmp6, $2  }
0x15c: {  	_ =	sdelay $0x2  }
0x15d: {  	s26 =	sadd.s32 $0x10, s26;
	s24 =	sadd.s32 $0x10, s24;
	s25 =	sadd.s32 $0x10, s25;
	[tilespmem:v3+s17+$0x0] =	vst.idx.add.f32.msk vm0, v2  }
.Ltmp7:
0x15e: {  	(pc) =	sbr.rel @p0 .LBB2_12-.Ltmp7, $1  }
0x15f: {  	_ =	sdelay $0x3  }
0x160: {  	s22 =	smul.u32 $0x1F40, s21;
	_ =	sdelay $0x1  }
0x161: {  	s22 =	sshrl.u32 s22, $0x3  }
0x162: {  	s22 =	sadd.s32 $0x5DC, s22  }
0x163: {  	s23 =	sadd.s32 s4, s22  }
0x164: {  	[tilespmem:s13], [sflag:$0x2] =	stream.linear.gather [hbm4b:s23+s3], $0xFA0, $0x38;
	[tilespmem:$0x19880] =	vst v63  }
.Ltmp8:
0x165: {  	_ = 	snop;
	(pc) =	sbr.rel .LBB2_4-.Ltmp8, $4  }
0x166: {  	s31 =	sadd.s32 s2, s22  }
0x167: {  	[tilespmem:s14], [sflag:$0x2] =	stream.linear.gather [hbm4b:s31+s3], $0xFA0, $0x38;
	[tilespmem:$0x19880] =	vst v63  }
0x168: {  	s21 =	sadd.s32 $0x1, s21;
	s22 =	sadd.s32 s5, s22  }
0x169: {  	[tilespmem:s15], [sflag:$0x2] =	stream.linear.gather [hbm4b:s22+s3], $0xFA0, $0x38;
	[tilespmem:$0x19880] =	vst v63  }
.LBB2_13:
0x16a: {  	_ =	sfence.sel $0x180000  }
0x16b: {  	[bflag:$0x0] =	sbarrier.arrive $0xFFFF  }
0x16c: {  	p0 =	sne.s32 s1, $0x0;
	_ =	strace $0x90000047  }
0x16d: {  	s0 =	sadd.s32 @!p0 $0x100000, s0;
	[bflag:$0x2] =	sbarrier.arrive $0xFFFF  }
0x16e: {  	[sflag:s0] =	ssyncadd.tile.s32 @!p0 $0x1;
	_ =	shalt  }
.Lfunc_end2:
_tile_overlayer_lowered:
.L_overlay_start_2:
0x16f: {  	(tag) =	ssettag $0x2  }
0x170: {  	s0 =	rddreg [dreg:$0x0];
	s2 =	stileid.u32  }
0x171: {  	s1 =	rddreg [dreg:$0x1];
	p0 =	sne.s32 s2, $0x0  }
0x172: {  	s3 =	rddreg [dreg:$0x2];
	[bflag:$0x3] =	sbarrier.arrive $0xFFFF;
	s2 =	simm.s32 @!p0 $0x1C03  }
0x173: {  	[timem:s3], [sflag:s2] =	dma.local @!p0 [hbm:s0], s1  }
0x174: {  	s0 =	simm.s32 @!p0 $0x3  }
0x175: {  	_ =	swait.ge @!p0 [sflag:s0], s1  }
0x176: {  	s1 =	ssub.s32 @!p0 $0x0, s1;
	[sflag:s0] =	ssyncset.done @!p0 $0x0  }
0x177: {  	[sflag:s0] =	ssyncadd.s32 @!p0 s1  }
0x178: {  	[bflag:$0x3] =	sbarrier.arrive $0xFFFF  }
0x179: {  	_ =	shalt  }

</sc_bundles>
